<compile_context>
chip_gen: v7x
topology: tpu7x:2x2x1
jax: 0.10.2.dev20260603
libtpu: 0.0.44.dev20260713+nightly
codegen_flags: <defaults>
</compile_context>

<pallas_src>
import jax
import jax.numpy as jnp
from jax import lax
from jax.experimental import pallas as pl
from jax.experimental.pallas import tpu as pltpu, tpu_sc as plsc

N = 10000
E = 320000
DIN = 128
DH = 256

NB = 79
N_PAD = NB * 128
NT = 16
NR = N_PAD // NT
CH = 128
CHUNKS_FULL = 160
CHUNKS_HALF = 80
E_PAD = CHUNKS_FULL * NT * CH
TOTCH = E_PAD // CH

_MESH = plsc.VectorSubcoreMesh(core_axis_name="c", subcore_axis_name="s")



def _deg_body(edges_hbm, ones_hbm, zeros_hbm, out_hbm, idx_v, ones_v, deg_sh):
    c = lax.axis_index("c")
    s = lax.axis_index("s")
    r0 = s * NR
    pltpu.sync_copy(zeros_hbm.at[pl.ds(r0, NR)], deg_sh.at[pl.ds(r0, NR)])
    pltpu.sync_copy(ones_hbm, ones_v)
    plsc.subcore_barrier()
    ebase = c * E_PAD + s * (CHUNKS_FULL * CH)

    def chunk(k, carry):
        b = ebase + k * CH
        pltpu.sync_copy(edges_hbm.at[pl.ds(b, CH)], idx_v)
        pltpu.sync_copy(ones_v, deg_sh.at[idx_v], add=True)
        return carry

    lax.fori_loop(0, CHUNKS_FULL, chunk, 0)
    plsc.subcore_barrier()
    pltpu.sync_copy(deg_sh.at[pl.ds(r0, NR)],
                    out_hbm.at[pl.ds(c * N_PAD + r0, NR)])


_deg_call = pl.kernel(
    _deg_body,
    out_type=jax.ShapeDtypeStruct((2 * N_PAD, 128), jnp.float32),
    mesh=_MESH,
    scratch_types=[
        pltpu.VMEM((CH,), jnp.int32),
        pltpu.VMEM((CH, 128), jnp.float32),
        pltpu.VMEM_SHARED((N_PAD, 128), jnp.float32),
    ],
)


def _spmm_body(col_split, src_hbm, dst_hbm, table_hbm, zeros_hbm, out_hbm,
               idxs2, idxo2, idxd2, rows2, agg_sh, gsem, ssem0, ssem1,
               isem0, isem1):
    c = lax.axis_index("c")
    s = lax.axis_index("s")
    r0 = s * NR
    pltpu.sync_copy(zeros_hbm.at[pl.ds(r0, NR)], agg_sh.at[pl.ds(r0, NR)])
    plsc.subcore_barrier()
    ssem = [ssem0, ssem1]
    isem = [isem0, isem1]
    if col_split:
        chunks = CHUNKS_FULL
        ebase = s * (CHUNKS_FULL * CH)
        off = c * N_PAD
    else:
        chunks = CHUNKS_HALF
        ebase = (c * NT + s) * (CHUNKS_HALF * CH)
        off = None

    pltpu.async_copy(src_hbm.at[pl.ds(ebase, CH)], idxs2.at[0], isem[0])

    def window(w, carry):
        for b2 in range(2):
            k = 2 * w + b2
            b = ebase + k * CH

            @pl.when(k >= 2)
            def _():
                pltpu.make_async_copy(zeros_hbm.at[pl.ds(0, CH)],
                                      rows2.at[b2], ssem[b2]).wait()

            pltpu.make_async_copy(src_hbm.at[pl.ds(0, CH)], idxs2.at[b2],
                                  isem[b2]).wait()
            if off is not None:
                for j in range(CH // 16):
                    idxo2[b2, pl.ds(j * 16, 16)] = (
                        idxs2[b2, pl.ds(j * 16, 16)] + off)
                gidx = idxo2.at[b2]
            else:
                gidx = idxs2.at[b2]
            gather = pltpu.async_copy(table_hbm.at[gidx], rows2.at[b2], gsem)

            @pl.when(k + 1 < chunks)
            def _():
                pltpu.async_copy(src_hbm.at[pl.ds(b + CH, CH)],
                                 idxs2.at[1 - b2], isem[1 - b2])

            gather.wait()
            pltpu.sync_copy(dst_hbm.at[pl.ds(b, CH)], idxd2.at[b2])
            pltpu.async_copy(rows2.at[b2], agg_sh.at[idxd2.at[b2]],
                             ssem[b2], add=True)
        return carry

    lax.fori_loop(0, chunks // 2, window, 0)
    pltpu.make_async_copy(zeros_hbm.at[pl.ds(0, CH)], rows2.at[0],
                          ssem[0]).wait()
    pltpu.make_async_copy(zeros_hbm.at[pl.ds(0, CH)], rows2.at[1],
                          ssem[1]).wait()
    plsc.subcore_barrier()
    pltpu.sync_copy(agg_sh.at[pl.ds(r0, NR)],
                    out_hbm.at[pl.ds(c * N_PAD + r0, NR)])


def _make_spmm(col_split):
    return pl.kernel(
        lambda *args: _spmm_body(col_split, *args),
        out_type=jax.ShapeDtypeStruct((2 * N_PAD, 128), jnp.float32),
        mesh=_MESH,
        scratch_types=[
            pltpu.VMEM((2, CH), jnp.int32),
            pltpu.VMEM((2, CH), jnp.int32),
            pltpu.VMEM((2, CH), jnp.int32),
            pltpu.VMEM((2, CH, 128), jnp.float32),
            pltpu.VMEM_SHARED((N_PAD, 128), jnp.float32),
            pltpu.SemaphoreType.DMA,
            pltpu.SemaphoreType.DMA,
            pltpu.SemaphoreType.DMA,
            pltpu.SemaphoreType.DMA,
            pltpu.SemaphoreType.DMA,
        ],
    )


_spmm_l1 = _make_spmm(False)
_spmm_l2 = _make_spmm(True)



def _tc1_body(x_ref, dego_ref, xs_ref):
    sc = lax.rsqrt(jnp.maximum(dego_ref[:, 0:1], 1.0))
    xs_ref[...] = x_ref[...] * sc


_tc1_call = pl.pallas_call(
    _tc1_body,
    grid=(NB,),
    in_specs=[
        pl.BlockSpec((128, 128), lambda i: (i, 0)),
        pl.BlockSpec((128, 128), lambda i: (i, 0)),
    ],
    out_specs=pl.BlockSpec((128, 128), lambda i: (i, 0)),
    out_shape=jax.ShapeDtypeStruct((N_PAD, 128), jnp.float32),
)


def _tc2_body(agga_ref, aggb_ref, dego_ref, degi_ref, w_ref, b_ref, out_ref):
    a = agga_ref[...] + aggb_ref[...]
    t = lax.rsqrt(jnp.maximum(degi_ref[:, 0:1], 1.0))
    y = jnp.dot(t * a, w_ref[...], preferred_element_type=jnp.float32)
    y = y + b_ref[...]
    y = jnp.where(y > 0, y, 0.01 * y)
    sc = lax.rsqrt(jnp.maximum(dego_ref[:, 0:1], 1.0))
    out_ref[...] = sc * y


_tc2_call = pl.pallas_call(
    _tc2_body,
    grid=(2, NB),
    in_specs=[
        pl.BlockSpec((128, 128), lambda j, i: (i, 0)),
        pl.BlockSpec((128, 128), lambda j, i: (NB + i, 0)),
        pl.BlockSpec((128, 128), lambda j, i: (i, 0)),
        pl.BlockSpec((128, 128), lambda j, i: (NB + i, 0)),
        pl.BlockSpec((128, 128), lambda j, i: (0, j)),
        pl.BlockSpec((1, 128), lambda j, i: (0, j)),
    ],
    out_specs=pl.BlockSpec((128, 128), lambda j, i: (j * NB + i, 0)),
    out_shape=jax.ShapeDtypeStruct((2 * N_PAD, 128), jnp.float32),
)


def _tc3_body(agga_ref, aggb_ref, degi_ref, w_ref, b_ref, out_ref):
    a = jnp.concatenate([agga_ref[...], aggb_ref[...]], axis=1)
    t = lax.rsqrt(jnp.maximum(degi_ref[:, 0:1], 1.0))
    y = jnp.dot(t * a, w_ref[...], preferred_element_type=jnp.float32)
    out_ref[...] = y + b_ref[...]


_tc3_call = pl.pallas_call(
    _tc3_body,
    grid=(2, NB),
    in_specs=[
        pl.BlockSpec((128, 128), lambda j, i: (i, 0)),
        pl.BlockSpec((128, 128), lambda j, i: (NB + i, 0)),
        pl.BlockSpec((128, 128), lambda j, i: (NB + i, 0)),
        pl.BlockSpec((256, 128), lambda j, i: (0, j)),
        pl.BlockSpec((1, 128), lambda j, i: (0, j)),
    ],
    out_specs=pl.BlockSpec((128, 128), lambda j, i: (i, j)),
    out_shape=jax.ShapeDtypeStruct((N_PAD, DH), jnp.float32),
)



def kernel(n_feat, edge_index, W1, b1, W2, b2):
    f32 = jnp.float32
    x_pad = jnp.zeros((N_PAD, DIN), f32).at[:N].set(n_feat)
    pad_idx = N + jnp.arange(E_PAD, dtype=jnp.int32) % (N_PAD - N)
    src_pad = pad_idx.at[:E].set(edge_index[0])
    dst_pad = pad_idx.at[:E].set(edge_index[1])
    edges_flat = jnp.concatenate([src_pad, dst_pad])
    ones128 = jnp.ones((CH, 128), f32)
    zeros128 = jnp.zeros((N_PAD, 128), f32)

    degs = _deg_call(edges_flat, ones128, zeros128)
    xs1 = _tc1_call(x_pad, degs)
    agg1 = _spmm_l1(src_pad, dst_pad, xs1, zeros128)
    xs2 = _tc2_call(agg1, agg1, degs, degs, W1, b1.reshape(1, DH))
    agg2 = _spmm_l2(src_pad, dst_pad, xs2, zeros128)
    out = _tc3_call(agg2, agg2, degs, W2, b2.reshape(1, DH))
    return out[:N]

# --- scband reference (transcript-rebuilt; emitter-appended) ---
"""Pipeline reference for scband-unsupervised-gcn-9174050144735 (READ-ONLY COPY).

The authoritative reference and input builder live on the scoring server;
editing this copy changes nothing except your own understanding.
"""

import jax, jax.numpy as jnp
import numpy as np

N = 10000
E = 320000
DIN = 128
DH = 256

def setup_inputs(seed: int = 0) -> dict:
    key = jax.random.key(seed)
    k1, k2, k3, k4, k5, k6 = jax.random.split(key, 6)
    n_feat = jax.random.normal(k1, (N, DIN), dtype=jnp.float32)
    edge_index = jax.random.randint(k2, (2, E), 0, N, dtype=jnp.int32)
    W1 = jax.random.normal(k3, (DIN, DH), dtype=jnp.float32) * (1.0 / np.sqrt(DIN))
    b1 = jnp.zeros((DH,), dtype=jnp.float32)
    W2 = jax.random.normal(k4, (DH, DH), dtype=jnp.float32) * (1.0 / np.sqrt(DH))
    b2 = jnp.zeros((DH,), dtype=jnp.float32)
    return {"n_feat": n_feat, "edge_index": edge_index, "W1": W1, "b1": b1, "W2": W2, "b2": b2}

def _gcn_layer(x, src, dst, W, b, act):
    # DGL GraphConv with norm='both': D_out^{-1/2} on src feats, sum-aggregate, D_in^{-1/2} on dst, then linear
    ones = jnp.ones(src.shape, dtype=x.dtype)
    deg_out = jax.ops.segment_sum(ones, src, num_segments=N)
    deg_in = jax.ops.segment_sum(ones, dst, num_segments=N)
    norm_src = jnp.power(jnp.clip(deg_out, 1.0, None), -0.5)
    norm_dst = jnp.power(jnp.clip(deg_in, 1.0, None), -0.5)
    h = x * norm_src[:, None]
    msg = jnp.take(h, src, axis=0)
    agg = jax.ops.segment_sum(msg, dst, num_segments=N)
    agg = agg * norm_dst[:, None]
    out = agg @ W + b
    if act:
        out = jax.nn.leaky_relu(out, negative_slope=0.01)
    return out

def reference(n_feat, edge_index, W1, b1, W2, b2):
    src = edge_index[0]
    dst = edge_index[1]
    # layer 0: activation = leaky_relu (i+1 < num_layers); layer 1: none (last_activate=False)
    h = _gcn_layer(n_feat, src, dst, W1, b1, True)
    h = h.reshape(-1, DH)
    h = _gcn_layer(h, src, dst, W2, b2, False)
    h = h.reshape(-1, DH)
    return h

if __name__ == "__main__":
    import jax
    _d = setup_inputs()
    print(jax.jit(kernel)(*tuple(_d.values())))

</pallas_src>

<mosaic_0001>
#map = affine_map<(d0, d1) -> (0)>
#map1 = affine_map<(d0, d1) -> (0, 0)>
module attributes {stable_mosaic.version = 14 : i64} {
  func.func @_deg_body(%arg0: i32, %arg1: i32, %arg2: memref<655360xi32, #tpu.memory_space<hbm>>, %arg3: memref<128x128xf32, #tpu.memory_space<hbm>>, %arg4: memref<10112x128xf32, #tpu.memory_space<hbm>>, %arg5: memref<20224x128xf32, #tpu.memory_space<hbm>>, %arg6: memref<128xi32, #tpu.memory_space<vmem>>, %arg7: memref<128x128xf32, #tpu.memory_space<vmem>>, %arg8: memref<10112x128xf32, #tpu.memory_space<vmem_shared>>) attributes {dimension_semantics = [#tpu.dimension_semantics<core_parallel>, #tpu.dimension_semantics<subcore_parallel>], iteration_bounds = array<i64: 2, 16>, scalar_prefetch = 0 : i64, scratch_operands = 3 : i64, tpu.core_type = #tpu.core_type<sc_vector_subcore>, window_params = [{transform_indices = #map}, {transform_indices = #map1}, {transform_indices = #map1}, {transform_indices = #map1}]} {
    %mul3A = arith.constant 632 : i32
    %mul3A_0 = arith.muli %arg1, %mul3A : i32
    "tpu.region"() ({
      %run_scoped3A = tpu.sem_alloc : memref<!tpu.dma_semaphore, #tpu.memory_space<semaphore_mem>>
      %dma_start3A = arith.constant 0 : i32
      %dma_start3A_14 = tpu.memref_slice %arg8[%mul3A_0, %dma_start3A] : memref<10112x128xf32, #tpu.memory_space<vmem_shared>> -> memref<632x128xf32, #tpu.memory_space<vmem_shared>>
      %dma_start3A_15 = arith.constant 0 : i32
      %dma_start3A_16 = tpu.memref_slice %arg4[%mul3A_0, %dma_start3A_15] : memref<10112x128xf32, #tpu.memory_space<hbm>> -> memref<632x128xf32, #tpu.memory_space<hbm>>
      tpu.enqueue_dma source(%dma_start3A_16 : memref<632x128xf32, #tpu.memory_space<hbm>>) target(%dma_start3A_14 : memref<632x128xf32, #tpu.memory_space<vmem_shared>>) target_semaphore(%run_scoped3A : memref<!tpu.dma_semaphore, #tpu.memory_space<semaphore_mem>>)
      %dma_wait3A = arith.constant 0 : i32
      %dma_wait3A_17 = tpu.memref_slice %arg8[%mul3A_0, %dma_wait3A] : memref<10112x128xf32, #tpu.memory_space<vmem_shared>> -> memref<632x128xf32, #tpu.memory_space<vmem_shared>>
      %dma_wait3A_18 = arith.constant 0 : i32
      %dma_wait3A_19 = tpu.memref_slice %arg4[%mul3A_0, %dma_wait3A_18] : memref<10112x128xf32, #tpu.memory_space<hbm>> -> memref<632x128xf32, #tpu.memory_space<hbm>>
      tpu.wait_dma2 semaphore(%run_scoped3A : memref<!tpu.dma_semaphore, #tpu.memory_space<semaphore_mem>>) src(%dma_wait3A_19 : memref<632x128xf32, #tpu.memory_space<hbm>>) dst(%dma_wait3A_17 : memref<632x128xf32, #tpu.memory_space<vmem_shared>>)
      tpu.yield
    }) : () -> ()
    "tpu.region"() ({
      %run_scoped3A = tpu.sem_alloc : memref<!tpu.dma_semaphore, #tpu.memory_space<semaphore_mem>>
      tpu.enqueue_dma source(%arg3 : memref<128x128xf32, #tpu.memory_space<hbm>>) target(%arg7 : memref<128x128xf32, #tpu.memory_space<vmem>>) target_semaphore(%run_scoped3A : memref<!tpu.dma_semaphore, #tpu.memory_space<semaphore_mem>>)
      tpu.wait_dma2 semaphore(%run_scoped3A : memref<!tpu.dma_semaphore, #tpu.memory_space<semaphore_mem>>) src(%arg3 : memref<128x128xf32, #tpu.memory_space<hbm>>) dst(%arg7 : memref<128x128xf32, #tpu.memory_space<vmem>>)
      tpu.yield
    }) : () -> ()
    %barrier3A = arith.constant 0 : index
    tpu.barrier barrier_id(%barrier3A)
    %mul3A_1 = arith.constant 327680 : i32
    %mul3A_2 = arith.muli %arg0, %mul3A_1 : i32
    %mul3A_3 = arith.constant 20480 : i32
    %mul3A_4 = arith.muli %arg1, %mul3A_3 : i32
    %add3A = arith.addi %mul3A_2, %mul3A_4 : i32
    %scan3A = arith.constant 0 : i32
    %scan3A_5 = arith.constant 0 : i32
    %scan3A_6 = arith.constant 160 : i32
    %scan3A_7 = arith.addi %scan3A_5, %scan3A_6 : i32
    %scan3A_8 = arith.constant 1 : i32
    scf.for %scan3A_14 = %scan3A_5 to %scan3A_7 step %scan3A_8  : i32 {
      %mul3A_15 = arith.constant 128 : i32
      %mul3A_16 = arith.muli %scan3A_14, %mul3A_15 : i32
      %add3A_17 = arith.addi %add3A, %mul3A_16 : i32
      "tpu.region"() ({
        %run_scoped3A = tpu.sem_alloc : memref<!tpu.dma_semaphore, #tpu.memory_space<semaphore_mem>>
        %dma_start3A = tpu.memref_slice %arg2[%add3A_17] : memref<655360xi32, #tpu.memory_space<hbm>> -> memref<128xi32, #tpu.memory_space<hbm>>
        %dma_start3A_18 = tpu.memref_slice %arg2[%add3A_17] : memref<655360xi32, #tpu.memory_space<hbm>> -> memref<128xi32, #tpu.memory_space<hbm>>
        tpu.enqueue_dma source(%dma_start3A_18 : memref<128xi32, #tpu.memory_space<hbm>>) target(%arg6 : memref<128xi32, #tpu.memory_space<vmem>>) target_semaphore(%run_scoped3A : memref<!tpu.dma_semaphore, #tpu.memory_space<semaphore_mem>>)
        %dma_wait3A = tpu.memref_slice %arg2[%add3A_17] : memref<655360xi32, #tpu.memory_space<hbm>> -> memref<128xi32, #tpu.memory_space<hbm>>
        %dma_wait3A_19 = tpu.memref_slice %arg2[%add3A_17] : memref<655360xi32, #tpu.memory_space<hbm>> -> memref<128xi32, #tpu.memory_space<hbm>>
        tpu.wait_dma2 semaphore(%run_scoped3A : memref<!tpu.dma_semaphore, #tpu.memory_space<semaphore_mem>>) src(%dma_wait3A_19 : memref<128xi32, #tpu.memory_space<hbm>>) dst(%arg6 : memref<128xi32, #tpu.memory_space<vmem>>)
        tpu.yield
      }) : () -> ()
      "tpu.region"() ({
        %run_scoped3A = tpu.sem_alloc : memref<!tpu.dma_semaphore, #tpu.memory_space<semaphore_mem>>
        %dma_start3A = arith.constant 0 : i32
        %dma_start3A_18 = arith.constant 0 : i32
        %dma_start3A_19 = tpu.memref_slice %arg8[%dma_start3A, %dma_start3A_18] : memref<10112x128xf32, #tpu.memory_space<vmem_shared>> -> memref<10112x128xf32, #tpu.memory_space<vmem_shared>>
        tpu.enqueue_indirect_dma source(%arg7 : memref<128x128xf32, #tpu.memory_space<vmem>>) target(%dma_start3A_19 : memref<10112x128xf32, #tpu.memory_space<vmem_shared>>) offsets(%arg6 : memref<128xi32, #tpu.memory_space<vmem>>) semaphore(%run_scoped3A : memref<!tpu.dma_semaphore, #tpu.memory_space<semaphore_mem>>) {add = true}
        %dma_wait3A = arith.constant 0 : i32
        %dma_wait3A_20 = arith.constant 0 : i32
        %dma_wait3A_21 = tpu.memref_slice %arg8[%dma_wait3A, %dma_wait3A_20] : memref<10112x128xf32, #tpu.memory_space<vmem_shared>> -> memref<10112x128xf32, #tpu.memory_space<vmem_shared>>
        tpu.wait_indirect_dma semaphore(%run_scoped3A : memref<!tpu.dma_semaphore, #tpu.memory_space<semaphore_mem>>) src(%arg7 : memref<128x128xf32, #tpu.memory_space<vmem>>) dst(%dma_wait3A_21 : memref<10112x128xf32, #tpu.memory_space<vmem_shared>>)
        tpu.yield
      }) : () -> ()
    }
    %scan3A_9 = arith.constant 160 : i32
    %barrier3A_10 = arith.constant 0 : index
    tpu.barrier barrier_id(%barrier3A_10)
    %mul3A_11 = arith.constant 10112 : i32
    %mul3A_12 = arith.muli %arg0, %mul3A_11 : i32
    %add3A_13 = arith.addi %mul3A_12, %mul3A_0 : i32
    "tpu.region"() ({
      %run_scoped3A = tpu.sem_alloc : memref<!tpu.dma_semaphore, #tpu.memory_space<semaphore_mem>>
      %dma_start3A = arith.constant 0 : i32
      %dma_start3A_14 = tpu.memref_slice %arg5[%add3A_13, %dma_start3A] : memref<20224x128xf32, #tpu.memory_space<hbm>> -> memref<632x128xf32, #tpu.memory_space<hbm>>
      %dma_start3A_15 = arith.constant 0 : i32
      %dma_start3A_16 = tpu.memref_slice %arg8[%mul3A_0, %dma_start3A_15] : memref<10112x128xf32, #tpu.memory_space<vmem_shared>> -> memref<632x128xf32, #tpu.memory_space<vmem_shared>>
      tpu.enqueue_dma source(%dma_start3A_16 : memref<632x128xf32, #tpu.memory_space<vmem_shared>>) target(%dma_start3A_14 : memref<632x128xf32, #tpu.memory_space<hbm>>) target_semaphore(%run_scoped3A : memref<!tpu.dma_semaphore, #tpu.memory_space<semaphore_mem>>)
      %dma_wait3A = arith.constant 0 : i32
      %dma_wait3A_17 = tpu.memref_slice %arg5[%add3A_13, %dma_wait3A] : memref<20224x128xf32, #tpu.memory_space<hbm>> -> memref<632x128xf32, #tpu.memory_space<hbm>>
      %dma_wait3A_18 = arith.constant 0 : i32
      %dma_wait3A_19 = tpu.memref_slice %arg8[%mul3A_0, %dma_wait3A_18] : memref<10112x128xf32, #tpu.memory_space<vmem_shared>> -> memref<632x128xf32, #tpu.memory_space<vmem_shared>>
      tpu.wait_dma2 semaphore(%run_scoped3A : memref<!tpu.dma_semaphore, #tpu.memory_space<semaphore_mem>>) src(%dma_wait3A_19 : memref<632x128xf32, #tpu.memory_space<vmem_shared>>) dst(%dma_wait3A_17 : memref<632x128xf32, #tpu.memory_space<hbm>>)
      tpu.yield
    }) : () -> ()
    return
  }
}

#map = affine_map<(d0, d1) -> (0)>
#map1 = affine_map<(d0, d1) -> (0, 0)>
module attributes {stable_mosaic.version = 14 : i64} {
  func.func @_lambda_(%arg0: i32, %arg1: i32, %arg2: memref<327680xi32, #tpu.memory_space<hbm>>, %arg3: memref<327680xi32, #tpu.memory_space<hbm>>, %arg4: memref<20224x128xf32, #tpu.memory_space<hbm>>, %arg5: memref<10112x128xf32, #tpu.memory_space<hbm>>, %arg6: memref<20224x128xf32, #tpu.memory_space<hbm>>, %arg7: memref<2x128xi32, #tpu.memory_space<vmem>>, %arg8: memref<2x128xi32, #tpu.memory_space<vmem>>, %arg9: memref<2x128xi32, #tpu.memory_space<vmem>>, %arg10: memref<2x128x128xf32, #tpu.memory_space<vmem>>, %arg11: memref<10112x128xf32, #tpu.memory_space<vmem_shared>>, %arg12: memref<!tpu.dma_semaphore, #tpu.memory_space<semaphore_mem>>, %arg13: memref<!tpu.dma_semaphore, #tpu.memory_space<semaphore_mem>>, %arg14: memref<!tpu.dma_semaphore, #tpu.memory_space<semaphore_mem>>, %arg15: memref<!tpu.dma_semaphore, #tpu.memory_space<semaphore_mem>>, %arg16: memref<!tpu.dma_semaphore, #tpu.memory_space<semaphore_mem>>) attributes {dimension_semantics = [#tpu.dimension_semantics<core_parallel>, #tpu.dimension_semantics<subcore_parallel>], iteration_bounds = array<i64: 2, 16>, scalar_prefetch = 0 : i64, scratch_operands = 10 : i64, tpu.core_type = #tpu.core_type<sc_vector_subcore>, window_params = [{transform_indices = #map}, {transform_indices = #map}, {transform_indices = #map1}, {transform_indices = #map1}, {transform_indices = #map1}]} {
    %mul3A = arith.constant 632 : i32
    %mul3A_0 = arith.muli %arg1, %mul3A : i32
    "tpu.region"() ({
      %run_scoped3A = tpu.sem_alloc : memref<!tpu.dma_semaphore, #tpu.memory_space<semaphore_mem>>
      %dma_start3A_50 = arith.constant 0 : i32
      %dma_start3A_51 = tpu.memref_slice %arg11[%mul3A_0, %dma_start3A_50] : memref<10112x128xf32, #tpu.memory_space<vmem_shared>> -> memref<632x128xf32, #tpu.memory_space<vmem_shared>>
      %dma_start3A_52 = arith.constant 0 : i32
      %dma_start3A_53 = tpu.memref_slice %arg5[%mul3A_0, %dma_start3A_52] : memref<10112x128xf32, #tpu.memory_space<hbm>> -> memref<632x128xf32, #tpu.memory_space<hbm>>
      tpu.enqueue_dma source(%dma_start3A_53 : memref<632x128xf32, #tpu.memory_space<hbm>>) target(%dma_start3A_51 : memref<632x128xf32, #tpu.memory_space<vmem_shared>>) target_semaphore(%run_scoped3A : memref<!tpu.dma_semaphore, #tpu.memory_space<semaphore_mem>>)
      %dma_wait3A_54 = arith.constant 0 : i32
      %dma_wait3A_55 = tpu.memref_slice %arg11[%mul3A_0, %dma_wait3A_54] : memref<10112x128xf32, #tpu.memory_space<vmem_shared>> -> memref<632x128xf32, #tpu.memory_space<vmem_shared>>
      %dma_wait3A_56 = arith.constant 0 : i32
      %dma_wait3A_57 = tpu.memref_slice %arg5[%mul3A_0, %dma_wait3A_56] : memref<10112x128xf32, #tpu.memory_space<hbm>> -> memref<632x128xf32, #tpu.memory_space<hbm>>
      tpu.wait_dma2 semaphore(%run_scoped3A : memref<!tpu.dma_semaphore, #tpu.memory_space<semaphore_mem>>) src(%dma_wait3A_57 : memref<632x128xf32, #tpu.memory_space<hbm>>) dst(%dma_wait3A_55 : memref<632x128xf32, #tpu.memory_space<vmem_shared>>)
      tpu.yield
    }) : () -> ()
    %barrier3A = arith.constant 0 : index
    tpu.barrier barrier_id(%barrier3A)
    %mul3A_1 = arith.constant 20480 : i32
    %mul3A_2 = arith.muli %arg1, %mul3A_1 : i32
    %mul3A_3 = arith.constant 10112 : i32
    %mul3A_4 = arith.muli %arg0, %mul3A_3 : i32
    %dma_start3A = arith.constant 0 : i32
    %dma_start3A_5 = arith.constant 0 : i32
    %dma_start3A_6 = tpu.memref_slice %arg7[%dma_start3A, %dma_start3A_5] : memref<2x128xi32, #tpu.memory_space<vmem>> -> memref<1x128xi32, #tpu.memory_space<vmem>>
    %dma_start3A_7 = tpu.memref_squeeze %dma_start3A_6 : memref<1x128xi32, #tpu.memory_space<vmem>> -> memref<128xi32, #tpu.memory_space<vmem>>
    %dma_start3A_8 = tpu.memref_slice %arg2[%mul3A_2] : memref<327680xi32, #tpu.memory_space<hbm>> -> memref<128xi32, #tpu.memory_space<hbm>>
    %dma_start3A_9 = arith.constant 0 : i32
    %dma_start3A_10 = tpu.memref_slice %arg7[%dma_start3A, %dma_start3A_9] : memref<2x128xi32, #tpu.memory_space<vmem>> -> memref<1x128xi32, #tpu.memory_space<vmem>>
    %dma_start3A_11 = tpu.memref_squeeze %dma_start3A_10 : memref<1x128xi32, #tpu.memory_space<vmem>> -> memref<128xi32, #tpu.memory_space<vmem>>
    %dma_start3A_12 = tpu.memref_slice %arg2[%mul3A_2] : memref<327680xi32, #tpu.memory_space<hbm>> -> memref<128xi32, #tpu.memory_space<hbm>>
    tpu.enqueue_dma source(%dma_start3A_12 : memref<128xi32, #tpu.memory_space<hbm>>) target(%dma_start3A_11 : memref<128xi32, #tpu.memory_space<vmem>>) target_semaphore(%arg15 : memref<!tpu.dma_semaphore, #tpu.memory_space<semaphore_mem>>)
    %scan3A = arith.constant 0 : i32
    %scan3A_13 = arith.constant 0 : i32
    %scan3A_14 = arith.constant 80 : i32
    %scan3A_15 = arith.addi %scan3A_13, %scan3A_14 : i32
    %scan3A_16 = arith.constant 1 : i32
    scf.for %scan3A_50 = %scan3A_13 to %scan3A_15 step %scan3A_16  : i32 {
      %mul3A_51 = arith.constant 2 : i32
      %mul3A_52 = arith.muli %mul3A_51, %scan3A_50 : i32
      %add3A_53 = arith.constant 0 : i32
      %add3A_54 = arith.addi %mul3A_52, %add3A_53 : i32
      %mul3A_55 = arith.constant 128 : i32
      %mul3A_56 = arith.muli %add3A_54, %mul3A_55 : i32
      %add3A_57 = arith.addi %mul3A_2, %mul3A_56 : i32
      %ge3A = arith.constant 2 : i32
      %ge3A_58 = arith.cmpi sge, %add3A_54, %ge3A : i32
      %convert_element_type3A = arith.extui %ge3A_58 : i1 to i32
      %cond3A = arith.constant 0 : i32
      %cond3A_59 = arith.cmpi ne, %convert_element_type3A, %cond3A : i32
      scf.if %cond3A_59 {
        %dma_wait3A_386 = arith.constant 0 : i32
        %dma_wait3A_387 = arith.constant 0 : i32
        %dma_wait3A_388 = arith.constant 0 : i32
        %dma_wait3A_389 = tpu.memref_slice %arg10[%dma_wait3A_386, %dma_wait3A_387, %dma_wait3A_388] : memref<2x128x128xf32, #tpu.memory_space<vmem>> -> memref<1x128x128xf32, #tpu.memory_space<vmem>>
        %dma_wait3A_390 = tpu.memref_squeeze %dma_wait3A_389 : memref<1x128x128xf32, #tpu.memory_space<vmem>> -> memref<128x128xf32, #tpu.memory_space<vmem>>
        %dma_wait3A_391 = arith.constant 0 : i32
        %dma_wait3A_392 = arith.constant 0 : i32
        %dma_wait3A_393 = tpu.memref_slice %arg5[%dma_wait3A_391, %dma_wait3A_392] : memref<10112x128xf32, #tpu.memory_space<hbm>> -> memref<128x128xf32, #tpu.memory_space<hbm>>
        %dma_wait3A_394 = arith.constant 0 : i32
        %dma_wait3A_395 = arith.constant 0 : i32
        %dma_wait3A_396 = tpu.memref_slice %arg10[%dma_wait3A_386, %dma_wait3A_394, %dma_wait3A_395] : memref<2x128x128xf32, #tpu.memory_space<vmem>> -> memref<1x128x128xf32, #tpu.memory_space<vmem>>
        %dma_wait3A_397 = tpu.memref_squeeze %dma_wait3A_396 : memref<1x128x128xf32, #tpu.memory_space<vmem>> -> memref<128x128xf32, #tpu.memory_space<vmem>>
        %dma_wait3A_398 = arith.constant 0 : i32
        %dma_wait3A_399 = arith.constant 0 : i32
        %dma_wait3A_400 = tpu.memref_slice %arg5[%dma_wait3A_398, %dma_wait3A_399] : memref<10112x128xf32, #tpu.memory_space<hbm>> -> memref<128x128xf32, #tpu.memory_space<hbm>>
        tpu.wait_dma2 semaphore(%arg13 : memref<!tpu.dma_semaphore, #tpu.memory_space<semaphore_mem>>) src(%dma_wait3A_400 : memref<128x128xf32, #tpu.memory_space<hbm>>) dst(%dma_wait3A_397 : memref<128x128xf32, #tpu.memory_space<vmem>>)
      } else {
      }
      %dma_wait3A_60 = arith.constant 0 : i32
      %dma_wait3A_61 = arith.constant 0 : i32
      %dma_wait3A_62 = tpu.memref_slice %arg7[%dma_wait3A_60, %dma_wait3A_61] : memref<2x128xi32, #tpu.memory_space<vmem>> -> memref<1x128xi32, #tpu.memory_space<vmem>>
      %dma_wait3A_63 = tpu.memref_squeeze %dma_wait3A_62 : memref<1x128xi32, #tpu.memory_space<vmem>> -> memref<128xi32, #tpu.memory_space<vmem>>
      %dma_wait3A_64 = arith.constant 0 : i32
      %dma_wait3A_65 = tpu.memref_slice %arg2[%dma_wait3A_64] : memref<327680xi32, #tpu.memory_space<hbm>> -> memref<128xi32, #tpu.memory_space<hbm>>
      %dma_wait3A_66 = arith.constant 0 : i32
      %dma_wait3A_67 = tpu.memref_slice %arg7[%dma_wait3A_60, %dma_wait3A_66] : memref<2x128xi32, #tpu.memory_space<vmem>> -> memref<1x128xi32, #tpu.memory_space<vmem>>
      %dma_wait3A_68 = tpu.memref_squeeze %dma_wait3A_67 : memref<1x128xi32, #tpu.memory_space<vmem>> -> memref<128xi32, #tpu.memory_space<vmem>>
      %dma_wait3A_69 = arith.constant 0 : i32
      %dma_wait3A_70 = tpu.memref_slice %arg2[%dma_wait3A_69] : memref<327680xi32, #tpu.memory_space<hbm>> -> memref<128xi32, #tpu.memory_space<hbm>>
      tpu.wait_dma2 semaphore(%arg15 : memref<!tpu.dma_semaphore, #tpu.memory_space<semaphore_mem>>) src(%dma_wait3A_70 : memref<128xi32, #tpu.memory_space<hbm>>) dst(%dma_wait3A_68 : memref<128xi32, #tpu.memory_space<vmem>>)
      %get3A = arith.constant 0 : i32
      %get3A_71 = arith.index_cast %get3A : i32 to index
      %get3A_72 = arith.constant 0 : index
      %get3A_73 = tpu.vector_load %arg7[%get3A_71, %get3A_72] {strides = array<i32>} : memref<2x128xi32, #tpu.memory_space<vmem>>, vector<1x16xi32>,
      %get3A_74 = vector.shape_cast %get3A_73 : vector<1x16xi32> to vector<16xi32>
      %add3A_75 = vector.broadcast %mul3A_4 : i32 to vector<16xi32>
      %add3A_76 = arith.addi %get3A_74, %add3A_75 : vector<16xi32>
      %swap3A = arith.constant 0 : i32
      %swap3A_77 = arith.index_cast %swap3A : i32 to index
      %swap3A_78 = arith.constant 0 : index
      %swap3A_79 = tpu.vector_load %arg8[%swap3A_77, %swap3A_78] {strides = array<i32>} : memref<2x128xi32, #tpu.memory_space<vmem>>, vector<1x16xi32>,
      %swap3A_80 = vector.shape_cast %swap3A_79 : vector<1x16xi32> to vector<16xi32>
      %swap3A_81 = vector.shape_cast %add3A_76 : vector<16xi32> to vector<1x16xi32>
      tpu.vector_store %arg8[%swap3A_77, %swap3A_78], %swap3A_81 {strides = array<i32>} : memref<2x128xi32, #tpu.memory_space<vmem>>, vector<1x16xi32>,
      %get3A_82 = arith.constant 0 : i32
      %get3A_83 = arith.index_cast %get3A_82 : i32 to index
      %get3A_84 = arith.constant 16 : index
      %get3A_85 = tpu.vector_load %arg7[%get3A_83, %get3A_84] {strides = array<i32>} : memref<2x128xi32, #tpu.memory_space<vmem>>, vector<1x16xi32>,
      %get3A_86 = vector.shape_cast %get3A_85 : vector<1x16xi32> to vector<16xi32>
      %add3A_87 = vector.broadcast %mul3A_4 : i32 to vector<16xi32>
      %add3A_88 = arith.addi %get3A_86, %add3A_87 : vector<16xi32>
      %swap3A_89 = arith.constant 0 : i32
      %swap3A_90 = arith.index_cast %swap3A_89 : i32 to index
      %swap3A_91 = arith.constant 16 : index
      %swap3A_92 = tpu.vector_load %arg8[%swap3A_90, %swap3A_91] {strides = array<i32>} : memref<2x128xi32, #tpu.memory_space<vmem>>, vector<1x16xi32>,
      %swap3A_93 = vector.shape_cast %swap3A_92 : vector<1x16xi32> to vector<16xi32>
      %swap3A_94 = vector.shape_cast %add3A_88 : vector<16xi32> to vector<1x16xi32>
      tpu.vector_store %arg8[%swap3A_90, %swap3A_91], %swap3A_94 {strides = array<i32>} : memref<2x128xi32, #tpu.memory_space<vmem>>, vector<1x16xi32>,
      %get3A_95 = arith.constant 0 : i32
      %get3A_96 = arith.index_cast %get3A_95 : i32 to index
      %get3A_97 = arith.constant 32 : index
      %get3A_98 = tpu.vector_load %arg7[%get3A_96, %get3A_97] {strides = array<i32>} : memref<2x128xi32, #tpu.memory_space<vmem>>, vector<1x16xi32>,
      %get3A_99 = vector.shape_cast %get3A_98 : vector<1x16xi32> to vector<16xi32>
      %add3A_100 = vector.broadcast %mul3A_4 : i32 to vector<16xi32>
      %add3A_101 = arith.addi %get3A_99, %add3A_100 : vector<16xi32>
      %swap3A_102 = arith.constant 0 : i32
      %swap3A_103 = arith.index_cast %swap3A_102 : i32 to index
      %swap3A_104 = arith.constant 32 : index
      %swap3A_105 = tpu.vector_load %arg8[%swap3A_103, %swap3A_104] {strides = array<i32>} : memref<2x128xi32, #tpu.memory_space<vmem>>, vector<1x16xi32>,
      %swap3A_106 = vector.shape_cast %swap3A_105 : vector<1x16xi32> to vector<16xi32>
      %swap3A_107 = vector.shape_cast %add3A_101 : vector<16xi32> to vector<1x16xi32>
      tpu.vector_store %arg8[%swap3A_103, %swap3A_104], %swap3A_107 {strides = array<i32>} : memref<2x128xi32, #tpu.memory_space<vmem>>, vector<1x16xi32>,
      %get3A_108 = arith.constant 0 : i32
      %get3A_109 = arith.index_cast %get3A_108 : i32 to index
      %get3A_110 = arith.constant 48 : index
      %get3A_111 = tpu.vector_load %arg7[%get3A_109, %get3A_110] {strides = array<i32>} : memref<2x128xi32, #tpu.memory_space<vmem>>, vector<1x16xi32>,
      %get3A_112 = vector.shape_cast %get3A_111 : vector<1x16xi32> to vector<16xi32>
      %add3A_113 = vector.broadcast %mul3A_4 : i32 to vector<16xi32>
      %add3A_114 = arith.addi %get3A_112, %add3A_113 : vector<16xi32>
      %swap3A_115 = arith.constant 0 : i32
      %swap3A_116 = arith.index_cast %swap3A_115 : i32 to index
      %swap3A_117 = arith.constant 48 : index
      %swap3A_118 = tpu.vector_load %arg8[%swap3A_116, %swap3A_117] {strides = array<i32>} : memref<2x128xi32, #tpu.memory_space<vmem>>, vector<1x16xi32>,
      %swap3A_119 = vector.shape_cast %swap3A_118 : vector<1x16xi32> to vector<16xi32>
      %swap3A_120 = vector.shape_cast %add3A_114 : vector<16xi32> to vector<1x16xi32>
      tpu.vector_store %arg8[%swap3A_116, %swap3A_117], %swap3A_120 {strides = array<i32>} : memref<2x128xi32, #tpu.memory_space<vmem>>, vector<1x16xi32>,
      %get3A_121 = arith.constant 0 : i32
      %get3A_122 = arith.index_cast %get3A_121 : i32 to index
      %get3A_123 = arith.constant 64 : index
      %get3A_124 = tpu.vector_load %arg7[%get3A_122, %get3A_123] {strides = array<i32>} : memref<2x128xi32, #tpu.memory_space<vmem>>, vector<1x16xi32>,
      %get3A_125 = vector.shape_cast %get3A_124 : vector<1x16xi32> to vector<16xi32>
      %add3A_126 = vector.broadcast %mul3A_4 : i32 to vector<16xi32>
      %add3A_127 = arith.addi %get3A_125, %add3A_126 : vector<16xi32>
      %swap3A_128 = arith.constant 0 : i32
      %swap3A_129 = arith.index_cast %swap3A_128 : i32 to index
      %swap3A_130 = arith.constant 64 : index
      %swap3A_131 = tpu.vector_load %arg8[%swap3A_129, %swap3A_130] {strides = array<i32>} : memref<2x128xi32, #tpu.memory_space<vmem>>, vector<1x16xi32>,
      %swap3A_132 = vector.shape_cast %swap3A_131 : vector<1x16xi32> to vector<16xi32>
      %swap3A_133 = vector.shape_cast %add3A_127 : vector<16xi32> to vector<1x16xi32>
      tpu.vector_store %arg8[%swap3A_129, %swap3A_130], %swap3A_133 {strides = array<i32>} : memref<2x128xi32, #tpu.memory_space<vmem>>, vector<1x16xi32>,
      %get3A_134 = arith.constant 0 : i32
      %get3A_135 = arith.index_cast %get3A_134 : i32 to index
      %get3A_136 = arith.constant 80 : index
      %get3A_137 = tpu.vector_load %arg7[%get3A_135, %get3A_136] {strides = array<i32>} : memref<2x128xi32, #tpu.memory_space<vmem>>, vector<1x16xi32>,
      %get3A_138 = vector.shape_cast %get3A_137 : vector<1x16xi32> to vector<16xi32>
      %add3A_139 = vector.broadcast %mul3A_4 : i32 to vector<16xi32>
      %add3A_140 = arith.addi %get3A_138, %add3A_139 : vector<16xi32>
      %swap3A_141 = arith.constant 0 : i32
      %swap3A_142 = arith.index_cast %swap3A_141 : i32 to index
      %swap3A_143 = arith.constant 80 : index
      %swap3A_144 = tpu.vector_load %arg8[%swap3A_142, %swap3A_143] {strides = array<i32>} : memref<2x128xi32, #tpu.memory_space<vmem>>, vector<1x16xi32>,
      %swap3A_145 = vector.shape_cast %swap3A_144 : vector<1x16xi32> to vector<16xi32>
      %swap3A_146 = vector.shape_cast %add3A_140 : vector<16xi32> to vector<1x16xi32>
      tpu.vector_store %arg8[%swap3A_142, %swap3A_143], %swap3A_146 {strides = array<i32>} : memref<2x128xi32, #tpu.memory_space<vmem>>, vector<1x16xi32>,
      %get3A_147 = arith.constant 0 : i32
      %get3A_148 = arith.index_cast %get3A_147 : i32 to index
      %get3A_149 = arith.constant 96 : index
      %get3A_150 = tpu.vector_load %arg7[%get3A_148, %get3A_149] {strides = array<i32>} : memref<2x128xi32, #tpu.memory_space<vmem>>, vector<1x16xi32>,
      %get3A_151 = vector.shape_cast %get3A_150 : vector<1x16xi32> to vector<16xi32>
      %add3A_152 = vector.broadcast %mul3A_4 : i32 to vector<16xi32>
      %add3A_153 = arith.addi %get3A_151, %add3A_152 : vector<16xi32>
      %swap3A_154 = arith.constant 0 : i32
      %swap3A_155 = arith.index_cast %swap3A_154 : i32 to index
      %swap3A_156 = arith.constant 96 : index
      %swap3A_157 = tpu.vector_load %arg8[%swap3A_155, %swap3A_156] {strides = array<i32>} : memref<2x128xi32, #tpu.memory_space<vmem>>, vector<1x16xi32>,
      %swap3A_158 = vector.shape_cast %swap3A_157 : vector<1x16xi32> to vector<16xi32>
      %swap3A_159 = vector.shape_cast %add3A_153 : vector<16xi32> to vector<1x16xi32>
      tpu.vector_store %arg8[%swap3A_155, %swap3A_156], %swap3A_159 {strides = array<i32>} : memref<2x128xi32, #tpu.memory_space<vmem>>, vector<1x16xi32>,
      %get3A_160 = arith.constant 0 : i32
      %get3A_161 = arith.index_cast %get3A_160 : i32 to index
      %get3A_162 = arith.constant 112 : index
      %get3A_163 = tpu.vector_load %arg7[%get3A_161, %get3A_162] {strides = array<i32>} : memref<2x128xi32, #tpu.memory_space<vmem>>, vector<1x16xi32>,
      %get3A_164 = vector.shape_cast %get3A_163 : vector<1x16xi32> to vector<16xi32>
      %add3A_165 = vector.broadcast %mul3A_4 : i32 to vector<16xi32>
      %add3A_166 = arith.addi %get3A_164, %add3A_165 : vector<16xi32>
      %swap3A_167 = arith.constant 0 : i32
      %swap3A_168 = arith.index_cast %swap3A_167 : i32 to index
      %swap3A_169 = arith.constant 112 : index
      %swap3A_170 = tpu.vector_load %arg8[%swap3A_168, %swap3A_169] {strides = array<i32>} : memref<2x128xi32, #tpu.memory_space<vmem>>, vector<1x16xi32>,
      %swap3A_171 = vector.shape_cast %swap3A_170 : vector<1x16xi32> to vector<16xi32>
      %swap3A_172 = vector.shape_cast %add3A_166 : vector<16xi32> to vector<1x16xi32>
      tpu.vector_store %arg8[%swap3A_168, %swap3A_169], %swap3A_172 {strides = array<i32>} : memref<2x128xi32, #tpu.memory_space<vmem>>, vector<1x16xi32>,
      %dma_start3A_173 = arith.constant 0 : i32
      %dma_start3A_174 = arith.constant 0 : i32
      %dma_start3A_175 = arith.constant 0 : i32
      %dma_start3A_176 = arith.constant 0 : i32
      %dma_start3A_177 = tpu.memref_slice %arg10[%dma_start3A_174, %dma_start3A_175, %dma_start3A_176] : memref<2x128x128xf32, #tpu.memory_space<vmem>> -> memref<1x128x128xf32, #tpu.memory_space<vmem>>
      %dma_start3A_178 = tpu.memref_squeeze %dma_start3A_177 : memref<1x128x128xf32, #tpu.memory_space<vmem>> -> memref<128x128xf32, #tpu.memory_space<vmem>>
      %dma_start3A_179 = arith.constant 0 : i32
      %dma_start3A_180 = tpu.memref_slice %arg8[%dma_start3A_173, %dma_start3A_179] : memref<2x128xi32, #tpu.memory_space<vmem>> -> memref<1x128xi32, #tpu.memory_space<vmem>>
      %dma_start3A_181 = tpu.memref_squeeze %dma_start3A_180 : memref<1x128xi32, #tpu.memory_space<vmem>> -> memref<128xi32, #tpu.memory_space<vmem>>
      %dma_start3A_182 = arith.constant 0 : i32
      %dma_start3A_183 = arith.constant 0 : i32
      %dma_start3A_184 = tpu.memref_slice %arg4[%dma_start3A_182, %dma_start3A_183] : memref<20224x128xf32, #tpu.memory_space<hbm>> -> memref<20224x128xf32, #tpu.memory_space<hbm>>
      tpu.enqueue_indirect_dma source(%dma_start3A_184 : memref<20224x128xf32, #tpu.memory_space<hbm>>) target(%dma_start3A_178 : memref<128x128xf32, #tpu.memory_space<vmem>>) offsets(%dma_start3A_181 : memref<128xi32, #tpu.memory_space<vmem>>) semaphore(%arg12 : memref<!tpu.dma_semaphore, #tpu.memory_space<semaphore_mem>>)
      %add3A_185 = arith.constant 1 : i32
      %add3A_186 = arith.addi %add3A_54, %add3A_185 : i32
      %lt3A = arith.constant 160 : i32
      %lt3A_187 = arith.cmpi slt, %add3A_186, %lt3A : i32
      %convert_element_type3A_188 = arith.extui %lt3A_187 : i1 to i32
      %cond3A_189 = arith.constant 0 : i32
      %cond3A_190 = arith.cmpi ne, %convert_element_type3A_188, %cond3A_189 : i32
      scf.if %cond3A_190 {
        %add3A_386 = arith.constant 128 : i32
        %add3A_387 = arith.addi %add3A_57, %add3A_386 : i32
        %dma_start3A_388 = arith.constant 1 : i32
        %dma_start3A_389 = arith.constant 0 : i32
        %dma_start3A_390 = tpu.memref_slice %arg7[%dma_start3A_388, %dma_start3A_389] : memref<2x128xi32, #tpu.memory_space<vmem>> -> memref<1x128xi32, #tpu.memory_space<vmem>>
        %dma_start3A_391 = tpu.memref_squeeze %dma_start3A_390 : memref<1x128xi32, #tpu.memory_space<vmem>> -> memref<128xi32, #tpu.memory_space<vmem>>
        %dma_start3A_392 = tpu.memref_slice %arg2[%add3A_387] : memref<327680xi32, #tpu.memory_space<hbm>> -> memref<128xi32, #tpu.memory_space<hbm>>
        %dma_start3A_393 = arith.constant 0 : i32
        %dma_start3A_394 = tpu.memref_slice %arg7[%dma_start3A_388, %dma_start3A_393] : memref<2x128xi32, #tpu.memory_space<vmem>> -> memref<1x128xi32, #tpu.memory_space<vmem>>
        %dma_start3A_395 = tpu.memref_squeeze %dma_start3A_394 : memref<1x128xi32, #tpu.memory_space<vmem>> -> memref<128xi32, #tpu.memory_space<vmem>>
        %dma_start3A_396 = tpu.memref_slice %arg2[%add3A_387] : memref<327680xi32, #tpu.memory_space<hbm>> -> memref<128xi32, #tpu.memory_space<hbm>>
        tpu.enqueue_dma source(%dma_start3A_396 : memref<128xi32, #tpu.memory_space<hbm>>) target(%dma_start3A_395 : memref<128xi32, #tpu.memory_space<vmem>>) target_semaphore(%arg16 : memref<!tpu.dma_semaphore, #tpu.memory_space<semaphore_mem>>)
      } else {
      }
      %dma_wait3A_191 = arith.constant 0 : i32
      %dma_wait3A_192 = arith.constant 0 : i32
      %dma_wait3A_193 = arith.constant 0 : i32
      %dma_wait3A_194 = arith.constant 0 : i32
      %dma_wait3A_195 = tpu.memref_slice %arg10[%dma_wait3A_192, %dma_wait3A_193, %dma_wait3A_194] : memref<2x128x128xf32, #tpu.memory_space<vmem>> -> memref<1x128x128xf32, #tpu.memory_space<vmem>>
      %dma_wait3A_196 = tpu.memref_squeeze %dma_wait3A_195 : memref<1x128x128xf32, #tpu.memory_space<vmem>> -> memref<128x128xf32, #tpu.memory_space<vmem>>
      %dma_wait3A_197 = arith.constant 0 : i32
      %dma_wait3A_198 = tpu.memref_slice %arg8[%dma_wait3A_191, %dma_wait3A_197] : memref<2x128xi32, #tpu.memory_space<vmem>> -> memref<1x128xi32, #tpu.memory_space<vmem>>
      %dma_wait3A_199 = tpu.memref_squeeze %dma_wait3A_198 : memref<1x128xi32, #tpu.memory_space<vmem>> -> memref<128xi32, #tpu.memory_space<vmem>>
      %dma_wait3A_200 = arith.constant 0 : i32
      %dma_wait3A_201 = arith.constant 0 : i32
      %dma_wait3A_202 = tpu.memref_slice %arg4[%dma_wait3A_200, %dma_wait3A_201] : memref<20224x128xf32, #tpu.memory_space<hbm>> -> memref<20224x128xf32, #tpu.memory_space<hbm>>
      tpu.wait_indirect_dma semaphore(%arg12 : memref<!tpu.dma_semaphore, #tpu.memory_space<semaphore_mem>>) src(%dma_wait3A_202 : memref<20224x128xf32, #tpu.memory_space<hbm>>) dst(%dma_wait3A_196 : memref<128x128xf32, #tpu.memory_space<vmem>>)
      %run_scoped3A = arith.constant 0 : i32
      "tpu.region"() ({
        %run_scoped3A_386 = tpu.sem_alloc : memref<!tpu.dma_semaphore, #tpu.memory_space<semaphore_mem>>
        %dma_start3A_387 = arith.constant 0 : i32
        %dma_start3A_388 = tpu.memref_slice %arg9[%run_scoped3A, %dma_start3A_387] : memref<2x128xi32, #tpu.memory_space<vmem>> -> memref<1x128xi32, #tpu.memory_space<vmem>>
        %dma_start3A_389 = tpu.memref_squeeze %dma_start3A_388 : memref<1x128xi32, #tpu.memory_space<vmem>> -> memref<128xi32, #tpu.memory_space<vmem>>
        %dma_start3A_390 = tpu.memref_slice %arg3[%add3A_57] : memref<327680xi32, #tpu.memory_space<hbm>> -> memref<128xi32, #tpu.memory_space<hbm>>
        %dma_start3A_391 = arith.constant 0 : i32
        %dma_start3A_392 = tpu.memref_slice %arg9[%run_scoped3A, %dma_start3A_391] : memref<2x128xi32, #tpu.memory_space<vmem>> -> memref<1x128xi32, #tpu.memory_space<vmem>>
        %dma_start3A_393 = tpu.memref_squeeze %dma_start3A_392 : memref<1x128xi32, #tpu.memory_space<vmem>> -> memref<128xi32, #tpu.memory_space<vmem>>
        %dma_start3A_394 = tpu.memref_slice %arg3[%add3A_57] : memref<327680xi32, #tpu.memory_space<hbm>> -> memref<128xi32, #tpu.memory_space<hbm>>
        tpu.enqueue_dma source(%dma_start3A_394 : memref<128xi32, #tpu.memory_space<hbm>>) target(%dma_start3A_393 : memref<128xi32, #tpu.memory_space<vmem>>) target_semaphore(%run_scoped3A_386 : memref<!tpu.dma_semaphore, #tpu.memory_space<semaphore_mem>>)
        %dma_wait3A_395 = arith.constant 0 : i32
        %dma_wait3A_396 = tpu.memref_slice %arg9[%run_scoped3A, %dma_wait3A_395] : memref<2x128xi32, #tpu.memory_space<vmem>> -> memref<1x128xi32, #tpu.memory_space<vmem>>
        %dma_wait3A_397 = tpu.memref_squeeze %dma_wait3A_396 : memref<1x128xi32, #tpu.memory_space<vmem>> -> memref<128xi32, #tpu.memory_space<vmem>>
        %dma_wait3A_398 = tpu.memref_slice %arg3[%add3A_57] : memref<327680xi32, #tpu.memory_space<hbm>> -> memref<128xi32, #tpu.memory_space<hbm>>
        %dma_wait3A_399 = arith.constant 0 : i32
        %dma_wait3A_400 = tpu.memref_slice %arg9[%run_scoped3A, %dma_wait3A_399] : memref<2x128xi32, #tpu.memory_space<vmem>> -> memref<1x128xi32, #tpu.memory_space<vmem>>
        %dma_wait3A_401 = tpu.memref_squeeze %dma_wait3A_400 : memref<1x128xi32, #tpu.memory_space<vmem>> -> memref<128xi32, #tpu.memory_space<vmem>>
        %dma_wait3A_402 = tpu.memref_slice %arg3[%add3A_57] : memref<327680xi32, #tpu.memory_space<hbm>> -> memref<128xi32, #tpu.memory_space<hbm>>
        tpu.wait_dma2 semaphore(%run_scoped3A_386 : memref<!tpu.dma_semaphore, #tpu.memory_space<semaphore_mem>>) src(%dma_wait3A_402 : memref<128xi32, #tpu.memory_space<hbm>>) dst(%dma_wait3A_401 : memref<128xi32, #tpu.memory_space<vmem>>)
        tpu.yield
      }) : () -> ()
      %dma_start3A_203 = arith.constant 0 : i32
      %dma_start3A_204 = arith.constant 0 : i32
      %dma_start3A_205 = arith.constant 0 : i32
      %dma_start3A_206 = arith.constant 0 : i32
      %dma_start3A_207 = tpu.memref_slice %arg10[%dma_start3A_203, %dma_start3A_205, %dma_start3A_206] : memref<2x128x128xf32, #tpu.memory_space<vmem>> -> memref<1x128x128xf32, #tpu.memory_space<vmem>>
      %dma_start3A_208 = tpu.memref_squeeze %dma_start3A_207 : memref<1x128x128xf32, #tpu.memory_space<vmem>> -> memref<128x128xf32, #tpu.memory_space<vmem>>
      %dma_start3A_209 = arith.constant 0 : i32
      %dma_start3A_210 = tpu.memref_slice %arg9[%dma_start3A_204, %dma_start3A_209] : memref<2x128xi32, #tpu.memory_space<vmem>> -> memref<1x128xi32, #tpu.memory_space<vmem>>
      %dma_start3A_211 = tpu.memref_squeeze %dma_start3A_210 : memref<1x128xi32, #tpu.memory_space<vmem>> -> memref<128xi32, #tpu.memory_space<vmem>>
      %dma_start3A_212 = arith.constant 0 : i32
      %dma_start3A_213 = arith.constant 0 : i32
      %dma_start3A_214 = tpu.memref_slice %arg11[%dma_start3A_212, %dma_start3A_213] : memref<10112x128xf32, #tpu.memory_space<vmem_shared>> -> memref<10112x128xf32, #tpu.memory_space<vmem_shared>>
      tpu.enqueue_indirect_dma source(%dma_start3A_208 : memref<128x128xf32, #tpu.memory_space<vmem>>) target(%dma_start3A_214 : memref<10112x128xf32, #tpu.memory_space<vmem_shared>>) offsets(%dma_start3A_211 : memref<128xi32, #tpu.memory_space<vmem>>) semaphore(%arg13 : memref<!tpu.dma_semaphore, #tpu.memory_space<semaphore_mem>>) {add = true}
      %mul3A_215 = arith.constant 2 : i32
      %mul3A_216 = arith.muli %mul3A_215, %scan3A_50 : i32
      %add3A_217 = arith.constant 1 : i32
      %add3A_218 = arith.addi %mul3A_216, %add3A_217 : i32
      %mul3A_219 = arith.constant 128 : i32
      %mul3A_220 = arith.muli %add3A_218, %mul3A_219 : i32
      %add3A_221 = arith.addi %mul3A_2, %mul3A_220 : i32
      %ge3A_222 = arith.constant 2 : i32
      %ge3A_223 = arith.cmpi sge, %add3A_218, %ge3A_222 : i32
      %convert_element_type3A_224 = arith.extui %ge3A_223 : i1 to i32
      %cond3A_225 = arith.constant 0 : i32
      %cond3A_226 = arith.cmpi ne, %convert_element_type3A_224, %cond3A_225 : i32
      scf.if %cond3A_226 {
        %dma_wait3A_386 = arith.constant 1 : i32
        %dma_wait3A_387 = arith.constant 0 : i32
        %dma_wait3A_388 = arith.constant 0 : i32
        %dma_wait3A_389 = tpu.memref_slice %arg10[%dma_wait3A_386, %dma_wait3A_387, %dma_wait3A_388] : memref<2x128x128xf32, #tpu.memory_space<vmem>> -> memref<1x128x128xf32, #tpu.memory_space<vmem>>
        %dma_wait3A_390 = tpu.memref_squeeze %dma_wait3A_389 : memref<1x128x128xf32, #tpu.memory_space<vmem>> -> memref<128x128xf32, #tpu.memory_space<vmem>>
        %dma_wait3A_391 = arith.constant 0 : i32
        %dma_wait3A_392 = arith.constant 0 : i32
        %dma_wait3A_393 = tpu.memref_slice %arg5[%dma_wait3A_391, %dma_wait3A_392] : memref<10112x128xf32, #tpu.memory_space<hbm>> -> memref<128x128xf32, #tpu.memory_space<hbm>>
        %dma_wait3A_394 = arith.constant 0 : i32
        %dma_wait3A_395 = arith.constant 0 : i32
        %dma_wait3A_396 = tpu.memref_slice %arg10[%dma_wait3A_386, %dma_wait3A_394, %dma_wait3A_395] : memref<2x128x128xf32, #tpu.memory_space<vmem>> -> memref<1x128x128xf32, #tpu.memory_space<vmem>>
        %dma_wait3A_397 = tpu.memref_squeeze %dma_wait3A_396 : memref<1x128x128xf32, #tpu.memory_space<vmem>> -> memref<128x128xf32, #tpu.memory_space<vmem>>
        %dma_wait3A_398 = arith.constant 0 : i32
        %dma_wait3A_399 = arith.constant 0 : i32
        %dma_wait3A_400 = tpu.memref_slice %arg5[%dma_wait3A_398, %dma_wait3A_399] : memref<10112x128xf32, #tpu.memory_space<hbm>> -> memref<128x128xf32, #tpu.memory_space<hbm>>
        tpu.wait_dma2 semaphore(%arg14 : memref<!tpu.dma_semaphore, #tpu.memory_space<semaphore_mem>>) src(%dma_wait3A_400 : memref<128x128xf32, #tpu.memory_space<hbm>>) dst(%dma_wait3A_397 : memref<128x128xf32, #tpu.memory_space<vmem>>)
      } else {
      }
      %dma_wait3A_227 = arith.constant 1 : i32
      %dma_wait3A_228 = arith.constant 0 : i32
      %dma_wait3A_229 = tpu.memref_slice %arg7[%dma_wait3A_227, %dma_wait3A_228] : memref<2x128xi32, #tpu.memory_space<vmem>> -> memref<1x128xi32, #tpu.memory_space<vmem>>
      %dma_wait3A_230 = tpu.memref_squeeze %dma_wait3A_229 : memref<1x128xi32, #tpu.memory_space<vmem>> -> memref<128xi32, #tpu.memory_space<vmem>>
      %dma_wait3A_231 = arith.constant 0 : i32
      %dma_wait3A_232 = tpu.memref_slice %arg2[%dma_wait3A_231] : memref<327680xi32, #tpu.memory_space<hbm>> -> memref<128xi32, #tpu.memory_space<hbm>>
      %dma_wait3A_233 = arith.constant 0 : i32
      %dma_wait3A_234 = tpu.memref_slice %arg7[%dma_wait3A_227, %dma_wait3A_233] : memref<2x128xi32, #tpu.memory_space<vmem>> -> memref<1x128xi32, #tpu.memory_space<vmem>>
      %dma_wait3A_235 = tpu.memref_squeeze %dma_wait3A_234 : memref<1x128xi32, #tpu.memory_space<vmem>> -> memref<128xi32, #tpu.memory_space<vmem>>
      %dma_wait3A_236 = arith.constant 0 : i32
      %dma_wait3A_237 = tpu.memref_slice %arg2[%dma_wait3A_236] : memref<327680xi32, #tpu.memory_space<hbm>> -> memref<128xi32, #tpu.memory_space<hbm>>
      tpu.wait_dma2 semaphore(%arg16 : memref<!tpu.dma_semaphore, #tpu.memory_space<semaphore_mem>>) src(%dma_wait3A_237 : memref<128xi32, #tpu.memory_space<hbm>>) dst(%dma_wait3A_235 : memref<128xi32, #tpu.memory_space<vmem>>)
      %get3A_238 = arith.constant 1 : i32
      %get3A_239 = arith.index_cast %get3A_238 : i32 to index
      %get3A_240 = arith.constant 0 : index
      %get3A_241 = tpu.vector_load %arg7[%get3A_239, %get3A_240] {strides = array<i32>} : memref<2x128xi32, #tpu.memory_space<vmem>>, vector<1x16xi32>,
      %get3A_242 = vector.shape_cast %get3A_241 : vector<1x16xi32> to vector<16xi32>
      %add3A_243 = vector.broadcast %mul3A_4 : i32 to vector<16xi32>
      %add3A_244 = arith.addi %get3A_242, %add3A_243 : vector<16xi32>
      %swap3A_245 = arith.constant 1 : i32
      %swap3A_246 = arith.index_cast %swap3A_245 : i32 to index
      %swap3A_247 = arith.constant 0 : index
      %swap3A_248 = tpu.vector_load %arg8[%swap3A_246, %swap3A_247] {strides = array<i32>} : memref<2x128xi32, #tpu.memory_space<vmem>>, vector<1x16xi32>,
      %swap3A_249 = vector.shape_cast %swap3A_248 : vector<1x16xi32> to vector<16xi32>
      %swap3A_250 = vector.shape_cast %add3A_244 : vector<16xi32> to vector<1x16xi32>
      tpu.vector_store %arg8[%swap3A_246, %swap3A_247], %swap3A_250 {strides = array<i32>} : memref<2x128xi32, #tpu.memory_space<vmem>>, vector<1x16xi32>,
      %get3A_251 = arith.constant 1 : i32
      %get3A_252 = arith.index_cast %get3A_251 : i32 to index
      %get3A_253 = arith.constant 16 : index
      %get3A_254 = tpu.vector_load %arg7[%get3A_252, %get3A_253] {strides = array<i32>} : memref<2x128xi32, #tpu.memory_space<vmem>>, vector<1x16xi32>,
      %get3A_255 = vector.shape_cast %get3A_254 : vector<1x16xi32> to vector<16xi32>
      %add3A_256 = vector.broadcast %mul3A_4 : i32 to vector<16xi32>
      %add3A_257 = arith.addi %get3A_255, %add3A_256 : vector<16xi32>
      %swap3A_258 = arith.constant 1 : i32
      %swap3A_259 = arith.index_cast %swap3A_258 : i32 to index
      %swap3A_260 = arith.constant 16 : index
      %swap3A_261 = tpu.vector_load %arg8[%swap3A_259, %swap3A_260] {strides = array<i32>} : memref<2x128xi32, #tpu.memory_space<vmem>>, vector<1x16xi32>,
      %swap3A_262 = vector.shape_cast %swap3A_261 : vector<1x16xi32> to vector<16xi32>
      %swap3A_263 = vector.shape_cast %add3A_257 : vector<16xi32> to vector<1x16xi32>
      tpu.vector_store %arg8[%swap3A_259, %swap3A_260], %swap3A_263 {strides = array<i32>} : memref<2x128xi32, #tpu.memory_space<vmem>>, vector<1x16xi32>,
      %get3A_264 = arith.constant 1 : i32
      %get3A_265 = arith.index_cast %get3A_264 : i32 to index
      %get3A_266 = arith.constant 32 : index
      %get3A_267 = tpu.vector_load %arg7[%get3A_265, %get3A_266] {strides = array<i32>} : memref<2x128xi32, #tpu.memory_space<vmem>>, vector<1x16xi32>,
      %get3A_268 = vector.shape_cast %get3A_267 : vector<1x16xi32> to vector<16xi32>
      %add3A_269 = vector.broadcast %mul3A_4 : i32 to vector<16xi32>
      %add3A_270 = arith.addi %get3A_268, %add3A_269 : vector<16xi32>
      %swap3A_271 = arith.constant 1 : i32
      %swap3A_272 = arith.index_cast %swap3A_271 : i32 to index
      %swap3A_273 = arith.constant 32 : index
      %swap3A_274 = tpu.vector_load %arg8[%swap3A_272, %swap3A_273] {strides = array<i32>} : memref<2x128xi32, #tpu.memory_space<vmem>>, vector<1x16xi32>,
      %swap3A_275 = vector.shape_cast %swap3A_274 : vector<1x16xi32> to vector<16xi32>
      %swap3A_276 = vector.shape_cast %add3A_270 : vector<16xi32> to vector<1x16xi32>
      tpu.vector_store %arg8[%swap3A_272, %swap3A_273], %swap3A_276 {strides = array<i32>} : memref<2x128xi32, #tpu.memory_space<vmem>>, vector<1x16xi32>,
      %get3A_277 = arith.constant 1 : i32
      %get3A_278 = arith.index_cast %get3A_277 : i32 to index
      %get3A_279 = arith.constant 48 : index
      %get3A_280 = tpu.vector_load %arg7[%get3A_278, %get3A_279] {strides = array<i32>} : memref<2x128xi32, #tpu.memory_space<vmem>>, vector<1x16xi32>,
      %get3A_281 = vector.shape_cast %get3A_280 : vector<1x16xi32> to vector<16xi32>
      %add3A_282 = vector.broadcast %mul3A_4 : i32 to vector<16xi32>
      %add3A_283 = arith.addi %get3A_281, %add3A_282 : vector<16xi32>
      %swap3A_284 = arith.constant 1 : i32
      %swap3A_285 = arith.index_cast %swap3A_284 : i32 to index
      %swap3A_286 = arith.constant 48 : index
      %swap3A_287 = tpu.vector_load %arg8[%swap3A_285, %swap3A_286] {strides = array<i32>} : memref<2x128xi32, #tpu.memory_space<vmem>>, vector<1x16xi32>,
      %swap3A_288 = vector.shape_cast %swap3A_287 : vector<1x16xi32> to vector<16xi32>
      %swap3A_289 = vector.shape_cast %add3A_283 : vector<16xi32> to vector<1x16xi32>
      tpu.vector_store %arg8[%swap3A_285, %swap3A_286], %swap3A_289 {strides = array<i32>} : memref<2x128xi32, #tpu.memory_space<vmem>>, vector<1x16xi32>,
      %get3A_290 = arith.constant 1 : i32
      %get3A_291 = arith.index_cast %get3A_290 : i32 to index
      %get3A_292 = arith.constant 64 : index
      %get3A_293 = tpu.vector_load %arg7[%get3A_291, %get3A_292] {strides = array<i32>} : memref<2x128xi32, #tpu.memory_space<vmem>>, vector<1x16xi32>,
      %get3A_294 = vector.shape_cast %get3A_293 : vector<1x16xi32> to vector<16xi32>
      %add3A_295 = vector.broadcast %mul3A_4 : i32 to vector<16xi32>
      %add3A_296 = arith.addi %get3A_294, %add3A_295 : vector<16xi32>
      %swap3A_297 = arith.constant 1 : i32
      %swap3A_298 = arith.index_cast %swap3A_297 : i32 to index
      %swap3A_299 = arith.constant 64 : index
      %swap3A_300 = tpu.vector_load %arg8[%swap3A_298, %swap3A_299] {strides = array<i32>} : memref<2x128xi32, #tpu.memory_space<vmem>>, vector<1x16xi32>,
      %swap3A_301 = vector.shape_cast %swap3A_300 : vector<1x16xi32> to vector<16xi32>
      %swap3A_302 = vector.shape_cast %add3A_296 : vector<16xi32> to vector<1x16xi32>
      tpu.vector_store %arg8[%swap3A_298, %swap3A_299], %swap3A_302 {strides = array<i32>} : memref<2x128xi32, #tpu.memory_space<vmem>>, vector<1x16xi32>,
      %get3A_303 = arith.constant 1 : i32
      %get3A_304 = arith.index_cast %get3A_303 : i32 to index
      %get3A_305 = arith.constant 80 : index
      %get3A_306 = tpu.vector_load %arg7[%get3A_304, %get3A_305] {strides = array<i32>} : memref<2x128xi32, #tpu.memory_space<vmem>>, vector<1x16xi32>,
      %get3A_307 = vector.shape_cast %get3A_306 : vector<1x16xi32> to vector<16xi32>
      %add3A_308 = vector.broadcast %mul3A_4 : i32 to vector<16xi32>
      %add3A_309 = arith.addi %get3A_307, %add3A_308 : vector<16xi32>
      %swap3A_310 = arith.constant 1 : i32
      %swap3A_311 = arith.index_cast %swap3A_310 : i32 to index
      %swap3A_312 = arith.constant 80 : index
      %swap3A_313 = tpu.vector_load %arg8[%swap3A_311, %swap3A_312] {strides = array<i32>} : memref<2x128xi32, #tpu.memory_space<vmem>>, vector<1x16xi32>,
      %swap3A_314 = vector.shape_cast %swap3A_313 : vector<1x16xi32> to vector<16xi32>
      %swap3A_315 = vector.shape_cast %add3A_309 : vector<16xi32> to vector<1x16xi32>
      tpu.vector_store %arg8[%swap3A_311, %swap3A_312], %swap3A_315 {strides = array<i32>} : memref<2x128xi32, #tpu.memory_space<vmem>>, vector<1x16xi32>,
      %get3A_316 = arith.constant 1 : i32
      %get3A_317 = arith.index_cast %get3A_316 : i32 to index
      %get3A_318 = arith.constant 96 : index
      %get3A_319 = tpu.vector_load %arg7[%get3A_317, %get3A_318] {strides = array<i32>} : memref<2x128xi32, #tpu.memory_space<vmem>>, vector<1x16xi32>,
      %get3A_320 = vector.shape_cast %get3A_319 : vector<1x16xi32> to vector<16xi32>
      %add3A_321 = vector.broadcast %mul3A_4 : i32 to vector<16xi32>
      %add3A_322 = arith.addi %get3A_320, %add3A_321 : vector<16xi32>
      %swap3A_323 = arith.constant 1 : i32
      %swap3A_324 = arith.index_cast %swap3A_323 : i32 to index
      %swap3A_325 = arith.constant 96 : index
      %swap3A_326 = tpu.vector_load %arg8[%swap3A_324, %swap3A_325] {strides = array<i32>} : memref<2x128xi32, #tpu.memory_space<vmem>>, vector<1x16xi32>,
      %swap3A_327 = vector.shape_cast %swap3A_326 : vector<1x16xi32> to vector<16xi32>
      %swap3A_328 = vector.shape_cast %add3A_322 : vector<16xi32> to vector<1x16xi32>
      tpu.vector_store %arg8[%swap3A_324, %swap3A_325], %swap3A_328 {strides = array<i32>} : memref<2x128xi32, #tpu.memory_space<vmem>>, vector<1x16xi32>,
      %get3A_329 = arith.constant 1 : i32
      %get3A_330 = arith.index_cast %get3A_329 : i32 to index
      %get3A_331 = arith.constant 112 : index
      %get3A_332 = tpu.vector_load %arg7[%get3A_330, %get3A_331] {strides = array<i32>} : memref<2x128xi32, #tpu.memory_space<vmem>>, vector<1x16xi32>,
      %get3A_333 = vector.shape_cast %get3A_332 : vector<1x16xi32> to vector<16xi32>
      %add3A_334 = vector.broadcast %mul3A_4 : i32 to vector<16xi32>
      %add3A_335 = arith.addi %get3A_333, %add3A_334 : vector<16xi32>
      %swap3A_336 = arith.constant 1 : i32
      %swap3A_337 = arith.index_cast %swap3A_336 : i32 to index
      %swap3A_338 = arith.constant 112 : index
      %swap3A_339 = tpu.vector_load %arg8[%swap3A_337, %swap3A_338] {strides = array<i32>} : memref<2x128xi32, #tpu.memory_space<vmem>>, vector<1x16xi32>,
      %swap3A_340 = vector.shape_cast %swap3A_339 : vector<1x16xi32> to vector<16xi32>
      %swap3A_341 = vector.shape_cast %add3A_335 : vector<16xi32> to vector<1x16xi32>
      tpu.vector_store %arg8[%swap3A_337, %swap3A_338], %swap3A_341 {strides = array<i32>} : memref<2x128xi32, #tpu.memory_space<vmem>>, vector<1x16xi32>,
      %dma_start3A_342 = arith.constant 1 : i32
      %dma_start3A_343 = arith.constant 1 : i32
      %dma_start3A_344 = arith.constant 0 : i32
      %dma_start3A_345 = arith.constant 0 : i32
      %dma_start3A_346 = tpu.memref_slice %arg10[%dma_start3A_343, %dma_start3A_344, %dma_start3A_345] : memref<2x128x128xf32, #tpu.memory_space<vmem>> -> memref<1x128x128xf32, #tpu.memory_space<vmem>>
      %dma_start3A_347 = tpu.memref_squeeze %dma_start3A_346 : memref<1x128x128xf32, #tpu.memory_space<vmem>> -> memref<128x128xf32, #tpu.memory_space<vmem>>
      %dma_start3A_348 = arith.constant 0 : i32
      %dma_start3A_349 = tpu.memref_slice %arg8[%dma_start3A_342, %dma_start3A_348] : memref<2x128xi32, #tpu.memory_space<vmem>> -> memref<1x128xi32, #tpu.memory_space<vmem>>
      %dma_start3A_350 = tpu.memref_squeeze %dma_start3A_349 : memref<1x128xi32, #tpu.memory_space<vmem>> -> memref<128xi32, #tpu.memory_space<vmem>>
      %dma_start3A_351 = arith.constant 0 : i32
      %dma_start3A_352 = arith.constant 0 : i32
      %dma_start3A_353 = tpu.memref_slice %arg4[%dma_start3A_351, %dma_start3A_352] : memref<20224x128xf32, #tpu.memory_space<hbm>> -> memref<20224x128xf32, #tpu.memory_space<hbm>>
      tpu.enqueue_indirect_dma source(%dma_start3A_353 : memref<20224x128xf32, #tpu.memory_space<hbm>>) target(%dma_start3A_347 : memref<128x128xf32, #tpu.memory_space<vmem>>) offsets(%dma_start3A_350 : memref<128xi32, #tpu.memory_space<vmem>>) semaphore(%arg12 : memref<!tpu.dma_semaphore, #tpu.memory_space<semaphore_mem>>)
      %add3A_354 = arith.constant 1 : i32
      %add3A_355 = arith.addi %add3A_218, %add3A_354 : i32
      %lt3A_356 = arith.constant 160 : i32
      %lt3A_357 = arith.cmpi slt, %add3A_355, %lt3A_356 : i32
      %convert_element_type3A_358 = arith.extui %lt3A_357 : i1 to i32
      %cond3A_359 = arith.constant 0 : i32
      %cond3A_360 = arith.cmpi ne, %convert_element_type3A_358, %cond3A_359 : i32
      scf.if %cond3A_360 {
        %add3A_386 = arith.constant 128 : i32
        %add3A_387 = arith.addi %add3A_221, %add3A_386 : i32
        %dma_start3A_388 = arith.constant 0 : i32
        %dma_start3A_389 = arith.constant 0 : i32
        %dma_start3A_390 = tpu.memref_slice %arg7[%dma_start3A_388, %dma_start3A_389] : memref<2x128xi32, #tpu.memory_space<vmem>> -> memref<1x128xi32, #tpu.memory_space<vmem>>
        %dma_start3A_391 = tpu.memref_squeeze %dma_start3A_390 : memref<1x128xi32, #tpu.memory_space<vmem>> -> memref<128xi32, #tpu.memory_space<vmem>>
        %dma_start3A_392 = tpu.memref_slice %arg2[%add3A_387] : memref<327680xi32, #tpu.memory_space<hbm>> -> memref<128xi32, #tpu.memory_space<hbm>>
        %dma_start3A_393 = arith.constant 0 : i32
        %dma_start3A_394 = tpu.memref_slice %arg7[%dma_start3A_388, %dma_start3A_393] : memref<2x128xi32, #tpu.memory_space<vmem>> -> memref<1x128xi32, #tpu.memory_space<vmem>>
        %dma_start3A_395 = tpu.memref_squeeze %dma_start3A_394 : memref<1x128xi32, #tpu.memory_space<vmem>> -> memref<128xi32, #tpu.memory_space<vmem>>
        %dma_start3A_396 = tpu.memref_slice %arg2[%add3A_387] : memref<327680xi32, #tpu.memory_space<hbm>> -> memref<128xi32, #tpu.memory_space<hbm>>
        tpu.enqueue_dma source(%dma_start3A_396 : memref<128xi32, #tpu.memory_space<hbm>>) target(%dma_start3A_395 : memref<128xi32, #tpu.memory_space<vmem>>) target_semaphore(%arg15 : memref<!tpu.dma_semaphore, #tpu.memory_space<semaphore_mem>>)
      } else {
      }
      %dma_wait3A_361 = arith.constant 1 : i32
      %dma_wait3A_362 = arith.constant 1 : i32
      %dma_wait3A_363 = arith.constant 0 : i32
      %dma_wait3A_364 = arith.constant 0 : i32
      %dma_wait3A_365 = tpu.memref_slice %arg10[%dma_wait3A_362, %dma_wait3A_363, %dma_wait3A_364] : memref<2x128x128xf32, #tpu.memory_space<vmem>> -> memref<1x128x128xf32, #tpu.memory_space<vmem>>
      %dma_wait3A_366 = tpu.memref_squeeze %dma_wait3A_365 : memref<1x128x128xf32, #tpu.memory_space<vmem>> -> memref<128x128xf32, #tpu.memory_space<vmem>>
      %dma_wait3A_367 = arith.constant 0 : i32
      %dma_wait3A_368 = tpu.memref_slice %arg8[%dma_wait3A_361, %dma_wait3A_367] : memref<2x128xi32, #tpu.memory_space<vmem>> -> memref<1x128xi32, #tpu.memory_space<vmem>>
      %dma_wait3A_369 = tpu.memref_squeeze %dma_wait3A_368 : memref<1x128xi32, #tpu.memory_space<vmem>> -> memref<128xi32, #tpu.memory_space<vmem>>
      %dma_wait3A_370 = arith.constant 0 : i32
      %dma_wait3A_371 = arith.constant 0 : i32
      %dma_wait3A_372 = tpu.memref_slice %arg4[%dma_wait3A_370, %dma_wait3A_371] : memref<20224x128xf32, #tpu.memory_space<hbm>> -> memref<20224x128xf32, #tpu.memory_space<hbm>>
      tpu.wait_indirect_dma semaphore(%arg12 : memref<!tpu.dma_semaphore, #tpu.memory_space<semaphore_mem>>) src(%dma_wait3A_372 : memref<20224x128xf32, #tpu.memory_space<hbm>>) dst(%dma_wait3A_366 : memref<128x128xf32, #tpu.memory_space<vmem>>)
      %run_scoped3A_373 = arith.constant 1 : i32
      "tpu.region"() ({
        %run_scoped3A_386 = tpu.sem_alloc : memref<!tpu.dma_semaphore, #tpu.memory_space<semaphore_mem>>
        %dma_start3A_387 = arith.constant 0 : i32
        %dma_start3A_388 = tpu.memref_slice %arg9[%run_scoped3A_373, %dma_start3A_387] : memref<2x128xi32, #tpu.memory_space<vmem>> -> memref<1x128xi32, #tpu.memory_space<vmem>>
        %dma_start3A_389 = tpu.memref_squeeze %dma_start3A_388 : memref<1x128xi32, #tpu.memory_space<vmem>> -> memref<128xi32, #tpu.memory_space<vmem>>
        %dma_start3A_390 = tpu.memref_slice %arg3[%add3A_221] : memref<327680xi32, #tpu.memory_space<hbm>> -> memref<128xi32, #tpu.memory_space<hbm>>
        %dma_start3A_391 = arith.constant 0 : i32
        %dma_start3A_392 = tpu.memref_slice %arg9[%run_scoped3A_373, %dma_start3A_391] : memref<2x128xi32, #tpu.memory_space<vmem>> -> memref<1x128xi32, #tpu.memory_space<vmem>>
        %dma_start3A_393 = tpu.memref_squeeze %dma_start3A_392 : memref<1x128xi32, #tpu.memory_space<vmem>> -> memref<128xi32, #tpu.memory_space<vmem>>
        %dma_start3A_394 = tpu.memref_slice %arg3[%add3A_221] : memref<327680xi32, #tpu.memory_space<hbm>> -> memref<128xi32, #tpu.memory_space<hbm>>
        tpu.enqueue_dma source(%dma_start3A_394 : memref<128xi32, #tpu.memory_space<hbm>>) target(%dma_start3A_393 : memref<128xi32, #tpu.memory_space<vmem>>) target_semaphore(%run_scoped3A_386 : memref<!tpu.dma_semaphore, #tpu.memory_space<semaphore_mem>>)
        %dma_wait3A_395 = arith.constant 0 : i32
        %dma_wait3A_396 = tpu.memref_slice %arg9[%run_scoped3A_373, %dma_wait3A_395] : memref<2x128xi32, #tpu.memory_space<vmem>> -> memref<1x128xi32, #tpu.memory_space<vmem>>
        %dma_wait3A_397 = tpu.memref_squeeze %dma_wait3A_396 : memref<1x128xi32, #tpu.memory_space<vmem>> -> memref<128xi32, #tpu.memory_space<vmem>>
        %dma_wait3A_398 = tpu.memref_slice %arg3[%add3A_221] : memref<327680xi32, #tpu.memory_space<hbm>> -> memref<128xi32, #tpu.memory_space<hbm>>
        %dma_wait3A_399 = arith.constant 0 : i32
        %dma_wait3A_400 = tpu.memref_slice %arg9[%run_scoped3A_373, %dma_wait3A_399] : memref<2x128xi32, #tpu.memory_space<vmem>> -> memref<1x128xi32, #tpu.memory_space<vmem>>
        %dma_wait3A_401 = tpu.memref_squeeze %dma_wait3A_400 : memref<1x128xi32, #tpu.memory_space<vmem>> -> memref<128xi32, #tpu.memory_space<vmem>>
        %dma_wait3A_402 = tpu.memref_slice %arg3[%add3A_221] : memref<327680xi32, #tpu.memory_space<hbm>> -> memref<128xi32, #tpu.memory_space<hbm>>
        tpu.wait_dma2 semaphore(%run_scoped3A_386 : memref<!tpu.dma_semaphore, #tpu.memory_space<semaphore_mem>>) src(%dma_wait3A_402 : memref<128xi32, #tpu.memory_space<hbm>>) dst(%dma_wait3A_401 : memref<128xi32, #tpu.memory_space<vmem>>)
        tpu.yield
      }) : () -> ()
      %dma_start3A_374 = arith.constant 1 : i32
      %dma_start3A_375 = arith.constant 1 : i32
      %dma_start3A_376 = arith.constant 0 : i32
      %dma_start3A_377 = arith.constant 0 : i32
      %dma_start3A_378 = tpu.memref_slice %arg10[%dma_start3A_374, %dma_start3A_376, %dma_start3A_377] : memref<2x128x128xf32, #tpu.memory_space<vmem>> -> memref<1x128x128xf32, #tpu.memory_space<vmem>>
      %dma_start3A_379 = tpu.memref_squeeze %dma_start3A_378 : memref<1x128x128xf32, #tpu.memory_space<vmem>> -> memref<128x128xf32, #tpu.memory_space<vmem>>
      %dma_start3A_380 = arith.constant 0 : i32
      %dma_start3A_381 = tpu.memref_slice %arg9[%dma_start3A_375, %dma_start3A_380] : memref<2x128xi32, #tpu.memory_space<vmem>> -> memref<1x128xi32, #tpu.memory_space<vmem>>
      %dma_start3A_382 = tpu.memref_squeeze %dma_start3A_381 : memref<1x128xi32, #tpu.memory_space<vmem>> -> memref<128xi32, #tpu.memory_space<vmem>>
      %dma_start3A_383 = arith.constant 0 : i32
      %dma_start3A_384 = arith.constant 0 : i32
      %dma_start3A_385 = tpu.memref_slice %arg11[%dma_start3A_383, %dma_start3A_384] : memref<10112x128xf32, #tpu.memory_space<vmem_shared>> -> memref<10112x128xf32, #tpu.memory_space<vmem_shared>>
      tpu.enqueue_indirect_dma source(%dma_start3A_379 : memref<128x128xf32, #tpu.memory_space<vmem>>) target(%dma_start3A_385 : memref<10112x128xf32, #tpu.memory_space<vmem_shared>>) offsets(%dma_start3A_382 : memref<128xi32, #tpu.memory_space<vmem>>) semaphore(%arg14 : memref<!tpu.dma_semaphore, #tpu.memory_space<semaphore_mem>>) {add = true}
    }
    %scan3A_17 = arith.constant 80 : i32
    %dma_wait3A = arith.constant 0 : i32
    %dma_wait3A_18 = arith.constant 0 : i32
    %dma_wait3A_19 = arith.constant 0 : i32
    %dma_wait3A_20 = tpu.memref_slice %arg10[%dma_wait3A, %dma_wait3A_18, %dma_wait3A_19] : memref<2x128x128xf32, #tpu.memory_space<vmem>> -> memref<1x128x128xf32, #tpu.memory_space<vmem>>
    %dma_wait3A_21 = tpu.memref_squeeze %dma_wait3A_20 : memref<1x128x128xf32, #tpu.memory_space<vmem>> -> memref<128x128xf32, #tpu.memory_space<vmem>>
    %dma_wait3A_22 = arith.constant 0 : i32
    %dma_wait3A_23 = arith.constant 0 : i32
    %dma_wait3A_24 = tpu.memref_slice %arg5[%dma_wait3A_22, %dma_wait3A_23] : memref<10112x128xf32, #tpu.memory_space<hbm>> -> memref<128x128xf32, #tpu.memory_space<hbm>>
    %dma_wait3A_25 = arith.constant 0 : i32
    %dma_wait3A_26 = arith.constant 0 : i32
    %dma_wait3A_27 = tpu.memref_slice %arg10[%dma_wait3A, %dma_wait3A_25, %dma_wait3A_26] : memref<2x128x128xf32, #tpu.memory_space<vmem>> -> memref<1x128x128xf32, #tpu.memory_space<vmem>>
    %dma_wait3A_28 = tpu.memref_squeeze %dma_wait3A_27 : memref<1x128x128xf32, #tpu.memory_space<vmem>> -> memref<128x128xf32, #tpu.memory_space<vmem>>
    %dma_wait3A_29 = arith.constant 0 : i32
    %dma_wait3A_30 = arith.constant 0 : i32
    %dma_wait3A_31 = tpu.memref_slice %arg5[%dma_wait3A_29, %dma_wait3A_30] : memref<10112x128xf32, #tpu.memory_space<hbm>> -> memref<128x128xf32, #tpu.memory_space<hbm>>
    tpu.wait_dma2 semaphore(%arg13 : memref<!tpu.dma_semaphore, #tpu.memory_space<semaphore_mem>>) src(%dma_wait3A_31 : memref<128x128xf32, #tpu.memory_space<hbm>>) dst(%dma_wait3A_28 : memref<128x128xf32, #tpu.memory_space<vmem>>)
    %dma_wait3A_32 = arith.constant 1 : i32
    %dma_wait3A_33 = arith.constant 0 : i32
    %dma_wait3A_34 = arith.constant 0 : i32
    %dma_wait3A_35 = tpu.memref_slice %arg10[%dma_wait3A_32, %dma_wait3A_33, %dma_wait3A_34] : memref<2x128x128xf32, #tpu.memory_space<vmem>> -> memref<1x128x128xf32, #tpu.memory_space<vmem>>
    %dma_wait3A_36 = tpu.memref_squeeze %dma_wait3A_35 : memref<1x128x128xf32, #tpu.memory_space<vmem>> -> memref<128x128xf32, #tpu.memory_space<vmem>>
    %dma_wait3A_37 = arith.constant 0 : i32
    %dma_wait3A_38 = arith.constant 0 : i32
    %dma_wait3A_39 = tpu.memref_slice %arg5[%dma_wait3A_37, %dma_wait3A_38] : memref<10112x128xf32, #tpu.memory_space<hbm>> -> memref<128x128xf32, #tpu.memory_space<hbm>>
    %dma_wait3A_40 = arith.constant 0 : i32
    %dma_wait3A_41 = arith.constant 0 : i32
    %dma_wait3A_42 = tpu.memref_slice %arg10[%dma_wait3A_32, %dma_wait3A_40, %dma_wait3A_41] : memref<2x128x128xf32, #tpu.memory_space<vmem>> -> memref<1x128x128xf32, #tpu.memory_space<vmem>>
    %dma_wait3A_43 = tpu.memref_squeeze %dma_wait3A_42 : memref<1x128x128xf32, #tpu.memory_space<vmem>> -> memref<128x128xf32, #tpu.memory_space<vmem>>
    %dma_wait3A_44 = arith.constant 0 : i32
    %dma_wait3A_45 = arith.constant 0 : i32
    %dma_wait3A_46 = tpu.memref_slice %arg5[%dma_wait3A_44, %dma_wait3A_45] : memref<10112x128xf32, #tpu.memory_space<hbm>> -> memref<128x128xf32, #tpu.memory_space<hbm>>
    tpu.wait_dma2 semaphore(%arg14 : memref<!tpu.dma_semaphore, #tpu.memory_space<semaphore_mem>>) src(%dma_wait3A_46 : memref<128x128xf32, #tpu.memory_space<hbm>>) dst(%dma_wait3A_43 : memref<128x128xf32, #tpu.memory_space<vmem>>)
    %barrier3A_47 = arith.constant 0 : index
    tpu.barrier barrier_id(%barrier3A_47)
    %mul3A_48 = arith.constant 10112 : i32
    %mul3A_49 = arith.muli %arg0, %mul3A_48 : i32
    %add3A = arith.addi %mul3A_49, %mul3A_0 : i32
    "tpu.region"() ({
      %run_scoped3A = tpu.sem_alloc : memref<!tpu.dma_semaphore, #tpu.memory_space<semaphore_mem>>
      %dma_start3A_50 = arith.constant 0 : i32
      %dma_start3A_51 = tpu.memref_slice %arg6[%add3A, %dma_start3A_50] : memref<20224x128xf32, #tpu.memory_space<hbm>> -> memref<632x128xf32, #tpu.memory_space<hbm>>
      %dma_start3A_52 = arith.constant 0 : i32
      %dma_start3A_53 = tpu.memref_slice %arg11[%mul3A_0, %dma_start3A_52] : memref<10112x128xf32, #tpu.memory_space<vmem_shared>> -> memref<632x128xf32, #tpu.memory_space<vmem_shared>>
      tpu.enqueue_dma source(%dma_start3A_53 : memref<632x128xf32, #tpu.memory_space<vmem_shared>>) target(%dma_start3A_51 : memref<632x128xf32, #tpu.memory_space<hbm>>) target_semaphore(%run_scoped3A : memref<!tpu.dma_semaphore, #tpu.memory_space<semaphore_mem>>)
      %dma_wait3A_54 = arith.constant 0 : i32
      %dma_wait3A_55 = tpu.memref_slice %arg6[%add3A, %dma_wait3A_54] : memref<20224x128xf32, #tpu.memory_space<hbm>> -> memref<632x128xf32, #tpu.memory_space<hbm>>
      %dma_wait3A_56 = arith.constant 0 : i32
      %dma_wait3A_57 = tpu.memref_slice %arg11[%mul3A_0, %dma_wait3A_56] : memref<10112x128xf32, #tpu.memory_space<vmem_shared>> -> memref<632x128xf32, #tpu.memory_space<vmem_shared>>
      tpu.wait_dma2 semaphore(%run_scoped3A : memref<!tpu.dma_semaphore, #tpu.memory_space<semaphore_mem>>) src(%dma_wait3A_57 : memref<632x128xf32, #tpu.memory_space<vmem_shared>>) dst(%dma_wait3A_55 : memref<632x128xf32, #tpu.memory_space<hbm>>)
      tpu.yield
    }) : () -> ()
    return
  }
}

#map = affine_map<(d0, d1) -> (0)>
#map1 = affine_map<(d0, d1) -> (0, 0)>
module attributes {stable_mosaic.version = 14 : i64} {
  func.func @_lambda_(%arg0: i32, %arg1: i32, %arg2: memref<327680xi32, #tpu.memory_space<hbm>>, %arg3: memref<327680xi32, #tpu.memory_space<hbm>>, %arg4: memref<10112x128xf32, #tpu.memory_space<hbm>>, %arg5: memref<10112x128xf32, #tpu.memory_space<hbm>>, %arg6: memref<20224x128xf32, #tpu.memory_space<hbm>>, %arg7: memref<2x128xi32, #tpu.memory_space<vmem>>, %arg8: memref<2x128xi32, #tpu.memory_space<vmem>>, %arg9: memref<2x128xi32, #tpu.memory_space<vmem>>, %arg10: memref<2x128x128xf32, #tpu.memory_space<vmem>>, %arg11: memref<10112x128xf32, #tpu.memory_space<vmem_shared>>, %arg12: memref<!tpu.dma_semaphore, #tpu.memory_space<semaphore_mem>>, %arg13: memref<!tpu.dma_semaphore, #tpu.memory_space<semaphore_mem>>, %arg14: memref<!tpu.dma_semaphore, #tpu.memory_space<semaphore_mem>>, %arg15: memref<!tpu.dma_semaphore, #tpu.memory_space<semaphore_mem>>, %arg16: memref<!tpu.dma_semaphore, #tpu.memory_space<semaphore_mem>>) attributes {dimension_semantics = [#tpu.dimension_semantics<core_parallel>, #tpu.dimension_semantics<subcore_parallel>], iteration_bounds = array<i64: 2, 16>, scalar_prefetch = 0 : i64, scratch_operands = 10 : i64, tpu.core_type = #tpu.core_type<sc_vector_subcore>, window_params = [{transform_indices = #map}, {transform_indices = #map}, {transform_indices = #map1}, {transform_indices = #map1}, {transform_indices = #map1}]} {
    %mul3A = arith.constant 632 : i32
    %mul3A_0 = arith.muli %arg1, %mul3A : i32
    "tpu.region"() ({
      %run_scoped3A = tpu.sem_alloc : memref<!tpu.dma_semaphore, #tpu.memory_space<semaphore_mem>>
      %dma_start3A_51 = arith.constant 0 : i32
      %dma_start3A_52 = tpu.memref_slice %arg11[%mul3A_0, %dma_start3A_51] : memref<10112x128xf32, #tpu.memory_space<vmem_shared>> -> memref<632x128xf32, #tpu.memory_space<vmem_shared>>
      %dma_start3A_53 = arith.constant 0 : i32
      %dma_start3A_54 = tpu.memref_slice %arg5[%mul3A_0, %dma_start3A_53] : memref<10112x128xf32, #tpu.memory_space<hbm>> -> memref<632x128xf32, #tpu.memory_space<hbm>>
      tpu.enqueue_dma source(%dma_start3A_54 : memref<632x128xf32, #tpu.memory_space<hbm>>) target(%dma_start3A_52 : memref<632x128xf32, #tpu.memory_space<vmem_shared>>) target_semaphore(%run_scoped3A : memref<!tpu.dma_semaphore, #tpu.memory_space<semaphore_mem>>)
      %dma_wait3A_55 = arith.constant 0 : i32
      %dma_wait3A_56 = tpu.memref_slice %arg11[%mul3A_0, %dma_wait3A_55] : memref<10112x128xf32, #tpu.memory_space<vmem_shared>> -> memref<632x128xf32, #tpu.memory_space<vmem_shared>>
      %dma_wait3A_57 = arith.constant 0 : i32
      %dma_wait3A_58 = tpu.memref_slice %arg5[%mul3A_0, %dma_wait3A_57] : memref<10112x128xf32, #tpu.memory_space<hbm>> -> memref<632x128xf32, #tpu.memory_space<hbm>>
      tpu.wait_dma2 semaphore(%run_scoped3A : memref<!tpu.dma_semaphore, #tpu.memory_space<semaphore_mem>>) src(%dma_wait3A_58 : memref<632x128xf32, #tpu.memory_space<hbm>>) dst(%dma_wait3A_56 : memref<632x128xf32, #tpu.memory_space<vmem_shared>>)
      tpu.yield
    }) : () -> ()
    %barrier3A = arith.constant 0 : index
    tpu.barrier barrier_id(%barrier3A)
    %mul3A_1 = arith.constant 16 : i32
    %mul3A_2 = arith.muli %arg0, %mul3A_1 : i32
    %add3A = arith.addi %mul3A_2, %arg1 : i32
    %mul3A_3 = arith.constant 10240 : i32
    %mul3A_4 = arith.muli %add3A, %mul3A_3 : i32
    %dma_start3A = arith.constant 0 : i32
    %dma_start3A_5 = arith.constant 0 : i32
    %dma_start3A_6 = tpu.memref_slice %arg7[%dma_start3A, %dma_start3A_5] : memref<2x128xi32, #tpu.memory_space<vmem>> -> memref<1x128xi32, #tpu.memory_space<vmem>>
    %dma_start3A_7 = tpu.memref_squeeze %dma_start3A_6 : memref<1x128xi32, #tpu.memory_space<vmem>> -> memref<128xi32, #tpu.memory_space<vmem>>
    %dma_start3A_8 = tpu.memref_slice %arg2[%mul3A_4] : memref<327680xi32, #tpu.memory_space<hbm>> -> memref<128xi32, #tpu.memory_space<hbm>>
    %dma_start3A_9 = arith.constant 0 : i32
    %dma_start3A_10 = tpu.memref_slice %arg7[%dma_start3A, %dma_start3A_9] : memref<2x128xi32, #tpu.memory_space<vmem>> -> memref<1x128xi32, #tpu.memory_space<vmem>>
    %dma_start3A_11 = tpu.memref_squeeze %dma_start3A_10 : memref<1x128xi32, #tpu.memory_space<vmem>> -> memref<128xi32, #tpu.memory_space<vmem>>
    %dma_start3A_12 = tpu.memref_slice %arg2[%mul3A_4] : memref<327680xi32, #tpu.memory_space<hbm>> -> memref<128xi32, #tpu.memory_space<hbm>>
    tpu.enqueue_dma source(%dma_start3A_12 : memref<128xi32, #tpu.memory_space<hbm>>) target(%dma_start3A_11 : memref<128xi32, #tpu.memory_space<vmem>>) target_semaphore(%arg15 : memref<!tpu.dma_semaphore, #tpu.memory_space<semaphore_mem>>)
    %scan3A = arith.constant 0 : i32
    %scan3A_13 = arith.constant 0 : i32
    %scan3A_14 = arith.constant 40 : i32
    %scan3A_15 = arith.addi %scan3A_13, %scan3A_14 : i32
    %scan3A_16 = arith.constant 1 : i32
    scf.for %scan3A_51 = %scan3A_13 to %scan3A_15 step %scan3A_16  : i32 {
      %mul3A_52 = arith.constant 2 : i32
      %mul3A_53 = arith.muli %mul3A_52, %scan3A_51 : i32
      %add3A_54 = arith.constant 0 : i32
      %add3A_55 = arith.addi %mul3A_53, %add3A_54 : i32
      %mul3A_56 = arith.constant 128 : i32
      %mul3A_57 = arith.muli %add3A_55, %mul3A_56 : i32
      %add3A_58 = arith.addi %mul3A_4, %mul3A_57 : i32
      %ge3A = arith.constant 2 : i32
      %ge3A_59 = arith.cmpi sge, %add3A_55, %ge3A : i32
      %convert_element_type3A = arith.extui %ge3A_59 : i1 to i32
      %cond3A = arith.constant 0 : i32
      %cond3A_60 = arith.cmpi ne, %convert_element_type3A, %cond3A : i32
      scf.if %cond3A_60 {
        %dma_wait3A_181 = arith.constant 0 : i32
        %dma_wait3A_182 = arith.constant 0 : i32
        %dma_wait3A_183 = arith.constant 0 : i32
        %dma_wait3A_184 = tpu.memref_slice %arg10[%dma_wait3A_181, %dma_wait3A_182, %dma_wait3A_183] : memref<2x128x128xf32, #tpu.memory_space<vmem>> -> memref<1x128x128xf32, #tpu.memory_space<vmem>>
        %dma_wait3A_185 = tpu.memref_squeeze %dma_wait3A_184 : memref<1x128x128xf32, #tpu.memory_space<vmem>> -> memref<128x128xf32, #tpu.memory_space<vmem>>
        %dma_wait3A_186 = arith.constant 0 : i32
        %dma_wait3A_187 = arith.constant 0 : i32
        %dma_wait3A_188 = tpu.memref_slice %arg5[%dma_wait3A_186, %dma_wait3A_187] : memref<10112x128xf32, #tpu.memory_space<hbm>> -> memref<128x128xf32, #tpu.memory_space<hbm>>
        %dma_wait3A_189 = arith.constant 0 : i32
        %dma_wait3A_190 = arith.constant 0 : i32
        %dma_wait3A_191 = tpu.memref_slice %arg10[%dma_wait3A_181, %dma_wait3A_189, %dma_wait3A_190] : memref<2x128x128xf32, #tpu.memory_space<vmem>> -> memref<1x128x128xf32, #tpu.memory_space<vmem>>
        %dma_wait3A_192 = tpu.memref_squeeze %dma_wait3A_191 : memref<1x128x128xf32, #tpu.memory_space<vmem>> -> memref<128x128xf32, #tpu.memory_space<vmem>>
        %dma_wait3A_193 = arith.constant 0 : i32
        %dma_wait3A_194 = arith.constant 0 : i32
        %dma_wait3A_195 = tpu.memref_slice %arg5[%dma_wait3A_193, %dma_wait3A_194] : memref<10112x128xf32, #tpu.memory_space<hbm>> -> memref<128x128xf32, #tpu.memory_space<hbm>>
        tpu.wait_dma2 semaphore(%arg13 : memref<!tpu.dma_semaphore, #tpu.memory_space<semaphore_mem>>) src(%dma_wait3A_195 : memref<128x128xf32, #tpu.memory_space<hbm>>) dst(%dma_wait3A_192 : memref<128x128xf32, #tpu.memory_space<vmem>>)
      } else {
      }
      %dma_wait3A_61 = arith.constant 0 : i32
      %dma_wait3A_62 = arith.constant 0 : i32
      %dma_wait3A_63 = tpu.memref_slice %arg7[%dma_wait3A_61, %dma_wait3A_62] : memref<2x128xi32, #tpu.memory_space<vmem>> -> memref<1x128xi32, #tpu.memory_space<vmem>>
      %dma_wait3A_64 = tpu.memref_squeeze %dma_wait3A_63 : memref<1x128xi32, #tpu.memory_space<vmem>> -> memref<128xi32, #tpu.memory_space<vmem>>
      %dma_wait3A_65 = arith.constant 0 : i32
      %dma_wait3A_66 = tpu.memref_slice %arg2[%dma_wait3A_65] : memref<327680xi32, #tpu.memory_space<hbm>> -> memref<128xi32, #tpu.memory_space<hbm>>
      %dma_wait3A_67 = arith.constant 0 : i32
      %dma_wait3A_68 = tpu.memref_slice %arg7[%dma_wait3A_61, %dma_wait3A_67] : memref<2x128xi32, #tpu.memory_space<vmem>> -> memref<1x128xi32, #tpu.memory_space<vmem>>
      %dma_wait3A_69 = tpu.memref_squeeze %dma_wait3A_68 : memref<1x128xi32, #tpu.memory_space<vmem>> -> memref<128xi32, #tpu.memory_space<vmem>>
      %dma_wait3A_70 = arith.constant 0 : i32
      %dma_wait3A_71 = tpu.memref_slice %arg2[%dma_wait3A_70] : memref<327680xi32, #tpu.memory_space<hbm>> -> memref<128xi32, #tpu.memory_space<hbm>>
      tpu.wait_dma2 semaphore(%arg15 : memref<!tpu.dma_semaphore, #tpu.memory_space<semaphore_mem>>) src(%dma_wait3A_71 : memref<128xi32, #tpu.memory_space<hbm>>) dst(%dma_wait3A_69 : memref<128xi32, #tpu.memory_space<vmem>>)
      %dma_start3A_72 = arith.constant 0 : i32
      %dma_start3A_73 = arith.constant 0 : i32
      %dma_start3A_74 = arith.constant 0 : i32
      %dma_start3A_75 = arith.constant 0 : i32
      %dma_start3A_76 = tpu.memref_slice %arg10[%dma_start3A_73, %dma_start3A_74, %dma_start3A_75] : memref<2x128x128xf32, #tpu.memory_space<vmem>> -> memref<1x128x128xf32, #tpu.memory_space<vmem>>
      %dma_start3A_77 = tpu.memref_squeeze %dma_start3A_76 : memref<1x128x128xf32, #tpu.memory_space<vmem>> -> memref<128x128xf32, #tpu.memory_space<vmem>>
      %dma_start3A_78 = arith.constant 0 : i32
      %dma_start3A_79 = tpu.memref_slice %arg7[%dma_start3A_72, %dma_start3A_78] : memref<2x128xi32, #tpu.memory_space<vmem>> -> memref<1x128xi32, #tpu.memory_space<vmem>>
      %dma_start3A_80 = tpu.memref_squeeze %dma_start3A_79 : memref<1x128xi32, #tpu.memory_space<vmem>> -> memref<128xi32, #tpu.memory_space<vmem>>
      %dma_start3A_81 = arith.constant 0 : i32
      %dma_start3A_82 = arith.constant 0 : i32
      %dma_start3A_83 = tpu.memref_slice %arg4[%dma_start3A_81, %dma_start3A_82] : memref<10112x128xf32, #tpu.memory_space<hbm>> -> memref<10112x128xf32, #tpu.memory_space<hbm>>
      tpu.enqueue_indirect_dma source(%dma_start3A_83 : memref<10112x128xf32, #tpu.memory_space<hbm>>) target(%dma_start3A_77 : memref<128x128xf32, #tpu.memory_space<vmem>>) offsets(%dma_start3A_80 : memref<128xi32, #tpu.memory_space<vmem>>) semaphore(%arg12 : memref<!tpu.dma_semaphore, #tpu.memory_space<semaphore_mem>>)
      %add3A_84 = arith.constant 1 : i32
      %add3A_85 = arith.addi %add3A_55, %add3A_84 : i32
      %lt3A = arith.constant 80 : i32
      %lt3A_86 = arith.cmpi slt, %add3A_85, %lt3A : i32
      %convert_element_type3A_87 = arith.extui %lt3A_86 : i1 to i32
      %cond3A_88 = arith.constant 0 : i32
      %cond3A_89 = arith.cmpi ne, %convert_element_type3A_87, %cond3A_88 : i32
      scf.if %cond3A_89 {
        %add3A_181 = arith.constant 128 : i32
        %add3A_182 = arith.addi %add3A_58, %add3A_181 : i32
        %dma_start3A_183 = arith.constant 1 : i32
        %dma_start3A_184 = arith.constant 0 : i32
        %dma_start3A_185 = tpu.memref_slice %arg7[%dma_start3A_183, %dma_start3A_184] : memref<2x128xi32, #tpu.memory_space<vmem>> -> memref<1x128xi32, #tpu.memory_space<vmem>>
        %dma_start3A_186 = tpu.memref_squeeze %dma_start3A_185 : memref<1x128xi32, #tpu.memory_space<vmem>> -> memref<128xi32, #tpu.memory_space<vmem>>
        %dma_start3A_187 = tpu.memref_slice %arg2[%add3A_182] : memref<327680xi32, #tpu.memory_space<hbm>> -> memref<128xi32, #tpu.memory_space<hbm>>
        %dma_start3A_188 = arith.constant 0 : i32
        %dma_start3A_189 = tpu.memref_slice %arg7[%dma_start3A_183, %dma_start3A_188] : memref<2x128xi32, #tpu.memory_space<vmem>> -> memref<1x128xi32, #tpu.memory_space<vmem>>
        %dma_start3A_190 = tpu.memref_squeeze %dma_start3A_189 : memref<1x128xi32, #tpu.memory_space<vmem>> -> memref<128xi32, #tpu.memory_space<vmem>>
        %dma_start3A_191 = tpu.memref_slice %arg2[%add3A_182] : memref<327680xi32, #tpu.memory_space<hbm>> -> memref<128xi32, #tpu.memory_space<hbm>>
        tpu.enqueue_dma source(%dma_start3A_191 : memref<128xi32, #tpu.memory_space<hbm>>) target(%dma_start3A_190 : memref<128xi32, #tpu.memory_space<vmem>>) target_semaphore(%arg16 : memref<!tpu.dma_semaphore, #tpu.memory_space<semaphore_mem>>)
      } else {
      }
      %dma_wait3A_90 = arith.constant 0 : i32
      %dma_wait3A_91 = arith.constant 0 : i32
      %dma_wait3A_92 = arith.constant 0 : i32
      %dma_wait3A_93 = arith.constant 0 : i32
      %dma_wait3A_94 = tpu.memref_slice %arg10[%dma_wait3A_91, %dma_wait3A_92, %dma_wait3A_93] : memref<2x128x128xf32, #tpu.memory_space<vmem>> -> memref<1x128x128xf32, #tpu.memory_space<vmem>>
      %dma_wait3A_95 = tpu.memref_squeeze %dma_wait3A_94 : memref<1x128x128xf32, #tpu.memory_space<vmem>> -> memref<128x128xf32, #tpu.memory_space<vmem>>
      %dma_wait3A_96 = arith.constant 0 : i32
      %dma_wait3A_97 = tpu.memref_slice %arg7[%dma_wait3A_90, %dma_wait3A_96] : memref<2x128xi32, #tpu.memory_space<vmem>> -> memref<1x128xi32, #tpu.memory_space<vmem>>
      %dma_wait3A_98 = tpu.memref_squeeze %dma_wait3A_97 : memref<1x128xi32, #tpu.memory_space<vmem>> -> memref<128xi32, #tpu.memory_space<vmem>>
      %dma_wait3A_99 = arith.constant 0 : i32
      %dma_wait3A_100 = arith.constant 0 : i32
      %dma_wait3A_101 = tpu.memref_slice %arg4[%dma_wait3A_99, %dma_wait3A_100] : memref<10112x128xf32, #tpu.memory_space<hbm>> -> memref<10112x128xf32, #tpu.memory_space<hbm>>
      tpu.wait_indirect_dma semaphore(%arg12 : memref<!tpu.dma_semaphore, #tpu.memory_space<semaphore_mem>>) src(%dma_wait3A_101 : memref<10112x128xf32, #tpu.memory_space<hbm>>) dst(%dma_wait3A_95 : memref<128x128xf32, #tpu.memory_space<vmem>>)
      %run_scoped3A = arith.constant 0 : i32
      "tpu.region"() ({
        %run_scoped3A_181 = tpu.sem_alloc : memref<!tpu.dma_semaphore, #tpu.memory_space<semaphore_mem>>
        %dma_start3A_182 = arith.constant 0 : i32
        %dma_start3A_183 = tpu.memref_slice %arg9[%run_scoped3A, %dma_start3A_182] : memref<2x128xi32, #tpu.memory_space<vmem>> -> memref<1x128xi32, #tpu.memory_space<vmem>>
        %dma_start3A_184 = tpu.memref_squeeze %dma_start3A_183 : memref<1x128xi32, #tpu.memory_space<vmem>> -> memref<128xi32, #tpu.memory_space<vmem>>
        %dma_start3A_185 = tpu.memref_slice %arg3[%add3A_58] : memref<327680xi32, #tpu.memory_space<hbm>> -> memref<128xi32, #tpu.memory_space<hbm>>
        %dma_start3A_186 = arith.constant 0 : i32
        %dma_start3A_187 = tpu.memref_slice %arg9[%run_scoped3A, %dma_start3A_186] : memref<2x128xi32, #tpu.memory_space<vmem>> -> memref<1x128xi32, #tpu.memory_space<vmem>>
        %dma_start3A_188 = tpu.memref_squeeze %dma_start3A_187 : memref<1x128xi32, #tpu.memory_space<vmem>> -> memref<128xi32, #tpu.memory_space<vmem>>
        %dma_start3A_189 = tpu.memref_slice %arg3[%add3A_58] : memref<327680xi32, #tpu.memory_space<hbm>> -> memref<128xi32, #tpu.memory_space<hbm>>
        tpu.enqueue_dma source(%dma_start3A_189 : memref<128xi32, #tpu.memory_space<hbm>>) target(%dma_start3A_188 : memref<128xi32, #tpu.memory_space<vmem>>) target_semaphore(%run_scoped3A_181 : memref<!tpu.dma_semaphore, #tpu.memory_space<semaphore_mem>>)
        %dma_wait3A_190 = arith.constant 0 : i32
        %dma_wait3A_191 = tpu.memref_slice %arg9[%run_scoped3A, %dma_wait3A_190] : memref<2x128xi32, #tpu.memory_space<vmem>> -> memref<1x128xi32, #tpu.memory_space<vmem>>
        %dma_wait3A_192 = tpu.memref_squeeze %dma_wait3A_191 : memref<1x128xi32, #tpu.memory_space<vmem>> -> memref<128xi32, #tpu.memory_space<vmem>>
        %dma_wait3A_193 = tpu.memref_slice %arg3[%add3A_58] : memref<327680xi32, #tpu.memory_space<hbm>> -> memref<128xi32, #tpu.memory_space<hbm>>
        %dma_wait3A_194 = arith.constant 0 : i32
        %dma_wait3A_195 = tpu.memref_slice %arg9[%run_scoped3A, %dma_wait3A_194] : memref<2x128xi32, #tpu.memory_space<vmem>> -> memref<1x128xi32, #tpu.memory_space<vmem>>
        %dma_wait3A_196 = tpu.memref_squeeze %dma_wait3A_195 : memref<1x128xi32, #tpu.memory_space<vmem>> -> memref<128xi32, #tpu.memory_space<vmem>>
        %dma_wait3A_197 = tpu.memref_slice %arg3[%add3A_58] : memref<327680xi32, #tpu.memory_space<hbm>> -> memref<128xi32, #tpu.memory_space<hbm>>
        tpu.wait_dma2 semaphore(%run_scoped3A_181 : memref<!tpu.dma_semaphore, #tpu.memory_space<semaphore_mem>>) src(%dma_wait3A_197 : memref<128xi32, #tpu.memory_space<hbm>>) dst(%dma_wait3A_196 : memref<128xi32, #tpu.memory_space<vmem>>)
        tpu.yield
      }) : () -> ()
      %dma_start3A_102 = arith.constant 0 : i32
      %dma_start3A_103 = arith.constant 0 : i32
      %dma_start3A_104 = arith.constant 0 : i32
      %dma_start3A_105 = arith.constant 0 : i32
      %dma_start3A_106 = tpu.memref_slice %arg10[%dma_start3A_102, %dma_start3A_104, %dma_start3A_105] : memref<2x128x128xf32, #tpu.memory_space<vmem>> -> memref<1x128x128xf32, #tpu.memory_space<vmem>>
      %dma_start3A_107 = tpu.memref_squeeze %dma_start3A_106 : memref<1x128x128xf32, #tpu.memory_space<vmem>> -> memref<128x128xf32, #tpu.memory_space<vmem>>
      %dma_start3A_108 = arith.constant 0 : i32
      %dma_start3A_109 = tpu.memref_slice %arg9[%dma_start3A_103, %dma_start3A_108] : memref<2x128xi32, #tpu.memory_space<vmem>> -> memref<1x128xi32, #tpu.memory_space<vmem>>
      %dma_start3A_110 = tpu.memref_squeeze %dma_start3A_109 : memref<1x128xi32, #tpu.memory_space<vmem>> -> memref<128xi32, #tpu.memory_space<vmem>>
      %dma_start3A_111 = arith.constant 0 : i32
      %dma_start3A_112 = arith.constant 0 : i32
      %dma_start3A_113 = tpu.memref_slice %arg11[%dma_start3A_111, %dma_start3A_112] : memref<10112x128xf32, #tpu.memory_space<vmem_shared>> -> memref<10112x128xf32, #tpu.memory_space<vmem_shared>>
      tpu.enqueue_indirect_dma source(%dma_start3A_107 : memref<128x128xf32, #tpu.memory_space<vmem>>) target(%dma_start3A_113 : memref<10112x128xf32, #tpu.memory_space<vmem_shared>>) offsets(%dma_start3A_110 : memref<128xi32, #tpu.memory_space<vmem>>) semaphore(%arg13 : memref<!tpu.dma_semaphore, #tpu.memory_space<semaphore_mem>>) {add = true}
      %mul3A_114 = arith.constant 2 : i32
      %mul3A_115 = arith.muli %mul3A_114, %scan3A_51 : i32
      %add3A_116 = arith.constant 1 : i32
      %add3A_117 = arith.addi %mul3A_115, %add3A_116 : i32
      %mul3A_118 = arith.constant 128 : i32
      %mul3A_119 = arith.muli %add3A_117, %mul3A_118 : i32
      %add3A_120 = arith.addi %mul3A_4, %mul3A_119 : i32
      %ge3A_121 = arith.constant 2 : i32
      %ge3A_122 = arith.cmpi sge, %add3A_117, %ge3A_121 : i32
      %convert_element_type3A_123 = arith.extui %ge3A_122 : i1 to i32
      %cond3A_124 = arith.constant 0 : i32
      %cond3A_125 = arith.cmpi ne, %convert_element_type3A_123, %cond3A_124 : i32
      scf.if %cond3A_125 {
        %dma_wait3A_181 = arith.constant 1 : i32
        %dma_wait3A_182 = arith.constant 0 : i32
        %dma_wait3A_183 = arith.constant 0 : i32
        %dma_wait3A_184 = tpu.memref_slice %arg10[%dma_wait3A_181, %dma_wait3A_182, %dma_wait3A_183] : memref<2x128x128xf32, #tpu.memory_space<vmem>> -> memref<1x128x128xf32, #tpu.memory_space<vmem>>
        %dma_wait3A_185 = tpu.memref_squeeze %dma_wait3A_184 : memref<1x128x128xf32, #tpu.memory_space<vmem>> -> memref<128x128xf32, #tpu.memory_space<vmem>>
        %dma_wait3A_186 = arith.constant 0 : i32
        %dma_wait3A_187 = arith.constant 0 : i32
        %dma_wait3A_188 = tpu.memref_slice %arg5[%dma_wait3A_186, %dma_wait3A_187] : memref<10112x128xf32, #tpu.memory_space<hbm>> -> memref<128x128xf32, #tpu.memory_space<hbm>>
        %dma_wait3A_189 = arith.constant 0 : i32
        %dma_wait3A_190 = arith.constant 0 : i32
        %dma_wait3A_191 = tpu.memref_slice %arg10[%dma_wait3A_181, %dma_wait3A_189, %dma_wait3A_190] : memref<2x128x128xf32, #tpu.memory_space<vmem>> -> memref<1x128x128xf32, #tpu.memory_space<vmem>>
        %dma_wait3A_192 = tpu.memref_squeeze %dma_wait3A_191 : memref<1x128x128xf32, #tpu.memory_space<vmem>> -> memref<128x128xf32, #tpu.memory_space<vmem>>
        %dma_wait3A_193 = arith.constant 0 : i32
        %dma_wait3A_194 = arith.constant 0 : i32
        %dma_wait3A_195 = tpu.memref_slice %arg5[%dma_wait3A_193, %dma_wait3A_194] : memref<10112x128xf32, #tpu.memory_space<hbm>> -> memref<128x128xf32, #tpu.memory_space<hbm>>
        tpu.wait_dma2 semaphore(%arg14 : memref<!tpu.dma_semaphore, #tpu.memory_space<semaphore_mem>>) src(%dma_wait3A_195 : memref<128x128xf32, #tpu.memory_space<hbm>>) dst(%dma_wait3A_192 : memref<128x128xf32, #tpu.memory_space<vmem>>)
      } else {
      }
      %dma_wait3A_126 = arith.constant 1 : i32
      %dma_wait3A_127 = arith.constant 0 : i32
      %dma_wait3A_128 = tpu.memref_slice %arg7[%dma_wait3A_126, %dma_wait3A_127] : memref<2x128xi32, #tpu.memory_space<vmem>> -> memref<1x128xi32, #tpu.memory_space<vmem>>
      %dma_wait3A_129 = tpu.memref_squeeze %dma_wait3A_128 : memref<1x128xi32, #tpu.memory_space<vmem>> -> memref<128xi32, #tpu.memory_space<vmem>>
      %dma_wait3A_130 = arith.constant 0 : i32
      %dma_wait3A_131 = tpu.memref_slice %arg2[%dma_wait3A_130] : memref<327680xi32, #tpu.memory_space<hbm>> -> memref<128xi32, #tpu.memory_space<hbm>>
      %dma_wait3A_132 = arith.constant 0 : i32
      %dma_wait3A_133 = tpu.memref_slice %arg7[%dma_wait3A_126, %dma_wait3A_132] : memref<2x128xi32, #tpu.memory_space<vmem>> -> memref<1x128xi32, #tpu.memory_space<vmem>>
      %dma_wait3A_134 = tpu.memref_squeeze %dma_wait3A_133 : memref<1x128xi32, #tpu.memory_space<vmem>> -> memref<128xi32, #tpu.memory_space<vmem>>
      %dma_wait3A_135 = arith.constant 0 : i32
      %dma_wait3A_136 = tpu.memref_slice %arg2[%dma_wait3A_135] : memref<327680xi32, #tpu.memory_space<hbm>> -> memref<128xi32, #tpu.memory_space<hbm>>
      tpu.wait_dma2 semaphore(%arg16 : memref<!tpu.dma_semaphore, #tpu.memory_space<semaphore_mem>>) src(%dma_wait3A_136 : memref<128xi32, #tpu.memory_space<hbm>>) dst(%dma_wait3A_134 : memref<128xi32, #tpu.memory_space<vmem>>)
      %dma_start3A_137 = arith.constant 1 : i32
      %dma_start3A_138 = arith.constant 1 : i32
      %dma_start3A_139 = arith.constant 0 : i32
      %dma_start3A_140 = arith.constant 0 : i32
      %dma_start3A_141 = tpu.memref_slice %arg10[%dma_start3A_138, %dma_start3A_139, %dma_start3A_140] : memref<2x128x128xf32, #tpu.memory_space<vmem>> -> memref<1x128x128xf32, #tpu.memory_space<vmem>>
      %dma_start3A_142 = tpu.memref_squeeze %dma_start3A_141 : memref<1x128x128xf32, #tpu.memory_space<vmem>> -> memref<128x128xf32, #tpu.memory_space<vmem>>
      %dma_start3A_143 = arith.constant 0 : i32
      %dma_start3A_144 = tpu.memref_slice %arg7[%dma_start3A_137, %dma_start3A_143] : memref<2x128xi32, #tpu.memory_space<vmem>> -> memref<1x128xi32, #tpu.memory_space<vmem>>
      %dma_start3A_145 = tpu.memref_squeeze %dma_start3A_144 : memref<1x128xi32, #tpu.memory_space<vmem>> -> memref<128xi32, #tpu.memory_space<vmem>>
      %dma_start3A_146 = arith.constant 0 : i32
      %dma_start3A_147 = arith.constant 0 : i32
      %dma_start3A_148 = tpu.memref_slice %arg4[%dma_start3A_146, %dma_start3A_147] : memref<10112x128xf32, #tpu.memory_space<hbm>> -> memref<10112x128xf32, #tpu.memory_space<hbm>>
      tpu.enqueue_indirect_dma source(%dma_start3A_148 : memref<10112x128xf32, #tpu.memory_space<hbm>>) target(%dma_start3A_142 : memref<128x128xf32, #tpu.memory_space<vmem>>) offsets(%dma_start3A_145 : memref<128xi32, #tpu.memory_space<vmem>>) semaphore(%arg12 : memref<!tpu.dma_semaphore, #tpu.memory_space<semaphore_mem>>)
      %add3A_149 = arith.constant 1 : i32
      %add3A_150 = arith.addi %add3A_117, %add3A_149 : i32
      %lt3A_151 = arith.constant 80 : i32
      %lt3A_152 = arith.cmpi slt, %add3A_150, %lt3A_151 : i32
      %convert_element_type3A_153 = arith.extui %lt3A_152 : i1 to i32
      %cond3A_154 = arith.constant 0 : i32
      %cond3A_155 = arith.cmpi ne, %convert_element_type3A_153, %cond3A_154 : i32
      scf.if %cond3A_155 {
        %add3A_181 = arith.constant 128 : i32
        %add3A_182 = arith.addi %add3A_120, %add3A_181 : i32
        %dma_start3A_183 = arith.constant 0 : i32
        %dma_start3A_184 = arith.constant 0 : i32
        %dma_start3A_185 = tpu.memref_slice %arg7[%dma_start3A_183, %dma_start3A_184] : memref<2x128xi32, #tpu.memory_space<vmem>> -> memref<1x128xi32, #tpu.memory_space<vmem>>
        %dma_start3A_186 = tpu.memref_squeeze %dma_start3A_185 : memref<1x128xi32, #tpu.memory_space<vmem>> -> memref<128xi32, #tpu.memory_space<vmem>>
        %dma_start3A_187 = tpu.memref_slice %arg2[%add3A_182] : memref<327680xi32, #tpu.memory_space<hbm>> -> memref<128xi32, #tpu.memory_space<hbm>>
        %dma_start3A_188 = arith.constant 0 : i32
        %dma_start3A_189 = tpu.memref_slice %arg7[%dma_start3A_183, %dma_start3A_188] : memref<2x128xi32, #tpu.memory_space<vmem>> -> memref<1x128xi32, #tpu.memory_space<vmem>>
        %dma_start3A_190 = tpu.memref_squeeze %dma_start3A_189 : memref<1x128xi32, #tpu.memory_space<vmem>> -> memref<128xi32, #tpu.memory_space<vmem>>
        %dma_start3A_191 = tpu.memref_slice %arg2[%add3A_182] : memref<327680xi32, #tpu.memory_space<hbm>> -> memref<128xi32, #tpu.memory_space<hbm>>
        tpu.enqueue_dma source(%dma_start3A_191 : memref<128xi32, #tpu.memory_space<hbm>>) target(%dma_start3A_190 : memref<128xi32, #tpu.memory_space<vmem>>) target_semaphore(%arg15 : memref<!tpu.dma_semaphore, #tpu.memory_space<semaphore_mem>>)
      } else {
      }
      %dma_wait3A_156 = arith.constant 1 : i32
      %dma_wait3A_157 = arith.constant 1 : i32
      %dma_wait3A_158 = arith.constant 0 : i32
      %dma_wait3A_159 = arith.constant 0 : i32
      %dma_wait3A_160 = tpu.memref_slice %arg10[%dma_wait3A_157, %dma_wait3A_158, %dma_wait3A_159] : memref<2x128x128xf32, #tpu.memory_space<vmem>> -> memref<1x128x128xf32, #tpu.memory_space<vmem>>
      %dma_wait3A_161 = tpu.memref_squeeze %dma_wait3A_160 : memref<1x128x128xf32, #tpu.memory_space<vmem>> -> memref<128x128xf32, #tpu.memory_space<vmem>>
      %dma_wait3A_162 = arith.constant 0 : i32
      %dma_wait3A_163 = tpu.memref_slice %arg7[%dma_wait3A_156, %dma_wait3A_162] : memref<2x128xi32, #tpu.memory_space<vmem>> -> memref<1x128xi32, #tpu.memory_space<vmem>>
      %dma_wait3A_164 = tpu.memref_squeeze %dma_wait3A_163 : memref<1x128xi32, #tpu.memory_space<vmem>> -> memref<128xi32, #tpu.memory_space<vmem>>
      %dma_wait3A_165 = arith.constant 0 : i32
      %dma_wait3A_166 = arith.constant 0 : i32
      %dma_wait3A_167 = tpu.memref_slice %arg4[%dma_wait3A_165, %dma_wait3A_166] : memref<10112x128xf32, #tpu.memory_space<hbm>> -> memref<10112x128xf32, #tpu.memory_space<hbm>>
      tpu.wait_indirect_dma semaphore(%arg12 : memref<!tpu.dma_semaphore, #tpu.memory_space<semaphore_mem>>) src(%dma_wait3A_167 : memref<10112x128xf32, #tpu.memory_space<hbm>>) dst(%dma_wait3A_161 : memref<128x128xf32, #tpu.memory_space<vmem>>)
      %run_scoped3A_168 = arith.constant 1 : i32
      "tpu.region"() ({
        %run_scoped3A_181 = tpu.sem_alloc : memref<!tpu.dma_semaphore, #tpu.memory_space<semaphore_mem>>
        %dma_start3A_182 = arith.constant 0 : i32
        %dma_start3A_183 = tpu.memref_slice %arg9[%run_scoped3A_168, %dma_start3A_182] : memref<2x128xi32, #tpu.memory_space<vmem>> -> memref<1x128xi32, #tpu.memory_space<vmem>>
        %dma_start3A_184 = tpu.memref_squeeze %dma_start3A_183 : memref<1x128xi32, #tpu.memory_space<vmem>> -> memref<128xi32, #tpu.memory_space<vmem>>
        %dma_start3A_185 = tpu.memref_slice %arg3[%add3A_120] : memref<327680xi32, #tpu.memory_space<hbm>> -> memref<128xi32, #tpu.memory_space<hbm>>
        %dma_start3A_186 = arith.constant 0 : i32
        %dma_start3A_187 = tpu.memref_slice %arg9[%run_scoped3A_168, %dma_start3A_186] : memref<2x128xi32, #tpu.memory_space<vmem>> -> memref<1x128xi32, #tpu.memory_space<vmem>>
        %dma_start3A_188 = tpu.memref_squeeze %dma_start3A_187 : memref<1x128xi32, #tpu.memory_space<vmem>> -> memref<128xi32, #tpu.memory_space<vmem>>
        %dma_start3A_189 = tpu.memref_slice %arg3[%add3A_120] : memref<327680xi32, #tpu.memory_space<hbm>> -> memref<128xi32, #tpu.memory_space<hbm>>
        tpu.enqueue_dma source(%dma_start3A_189 : memref<128xi32, #tpu.memory_space<hbm>>) target(%dma_start3A_188 : memref<128xi32, #tpu.memory_space<vmem>>) target_semaphore(%run_scoped3A_181 : memref<!tpu.dma_semaphore, #tpu.memory_space<semaphore_mem>>)
        %dma_wait3A_190 = arith.constant 0 : i32
        %dma_wait3A_191 = tpu.memref_slice %arg9[%run_scoped3A_168, %dma_wait3A_190] : memref<2x128xi32, #tpu.memory_space<vmem>> -> memref<1x128xi32, #tpu.memory_space<vmem>>
        %dma_wait3A_192 = tpu.memref_squeeze %dma_wait3A_191 : memref<1x128xi32, #tpu.memory_space<vmem>> -> memref<128xi32, #tpu.memory_space<vmem>>
        %dma_wait3A_193 = tpu.memref_slice %arg3[%add3A_120] : memref<327680xi32, #tpu.memory_space<hbm>> -> memref<128xi32, #tpu.memory_space<hbm>>
        %dma_wait3A_194 = arith.constant 0 : i32
        %dma_wait3A_195 = tpu.memref_slice %arg9[%run_scoped3A_168, %dma_wait3A_194] : memref<2x128xi32, #tpu.memory_space<vmem>> -> memref<1x128xi32, #tpu.memory_space<vmem>>
        %dma_wait3A_196 = tpu.memref_squeeze %dma_wait3A_195 : memref<1x128xi32, #tpu.memory_space<vmem>> -> memref<128xi32, #tpu.memory_space<vmem>>
        %dma_wait3A_197 = tpu.memref_slice %arg3[%add3A_120] : memref<327680xi32, #tpu.memory_space<hbm>> -> memref<128xi32, #tpu.memory_space<hbm>>
        tpu.wait_dma2 semaphore(%run_scoped3A_181 : memref<!tpu.dma_semaphore, #tpu.memory_space<semaphore_mem>>) src(%dma_wait3A_197 : memref<128xi32, #tpu.memory_space<hbm>>) dst(%dma_wait3A_196 : memref<128xi32, #tpu.memory_space<vmem>>)
        tpu.yield
      }) : () -> ()
      %dma_start3A_169 = arith.constant 1 : i32
      %dma_start3A_170 = arith.constant 1 : i32
      %dma_start3A_171 = arith.constant 0 : i32
      %dma_start3A_172 = arith.constant 0 : i32
      %dma_start3A_173 = tpu.memref_slice %arg10[%dma_start3A_169, %dma_start3A_171, %dma_start3A_172] : memref<2x128x128xf32, #tpu.memory_space<vmem>> -> memref<1x128x128xf32, #tpu.memory_space<vmem>>
      %dma_start3A_174 = tpu.memref_squeeze %dma_start3A_173 : memref<1x128x128xf32, #tpu.memory_space<vmem>> -> memref<128x128xf32, #tpu.memory_space<vmem>>
      %dma_start3A_175 = arith.constant 0 : i32
      %dma_start3A_176 = tpu.memref_slice %arg9[%dma_start3A_170, %dma_start3A_175] : memref<2x128xi32, #tpu.memory_space<vmem>> -> memref<1x128xi32, #tpu.memory_space<vmem>>
      %dma_start3A_177 = tpu.memref_squeeze %dma_start3A_176 : memref<1x128xi32, #tpu.memory_space<vmem>> -> memref<128xi32, #tpu.memory_space<vmem>>
      %dma_start3A_178 = arith.constant 0 : i32
      %dma_start3A_179 = arith.constant 0 : i32
      %dma_start3A_180 = tpu.memref_slice %arg11[%dma_start3A_178, %dma_start3A_179] : memref<10112x128xf32, #tpu.memory_space<vmem_shared>> -> memref<10112x128xf32, #tpu.memory_space<vmem_shared>>
      tpu.enqueue_indirect_dma source(%dma_start3A_174 : memref<128x128xf32, #tpu.memory_space<vmem>>) target(%dma_start3A_180 : memref<10112x128xf32, #tpu.memory_space<vmem_shared>>) offsets(%dma_start3A_177 : memref<128xi32, #tpu.memory_space<vmem>>) semaphore(%arg14 : memref<!tpu.dma_semaphore, #tpu.memory_space<semaphore_mem>>) {add = true}
    }
    %scan3A_17 = arith.constant 40 : i32
    %dma_wait3A = arith.constant 0 : i32
    %dma_wait3A_18 = arith.constant 0 : i32
    %dma_wait3A_19 = arith.constant 0 : i32
    %dma_wait3A_20 = tpu.memref_slice %arg10[%dma_wait3A, %dma_wait3A_18, %dma_wait3A_19] : memref<2x128x128xf32, #tpu.memory_space<vmem>> -> memref<1x128x128xf32, #tpu.memory_space<vmem>>
    %dma_wait3A_21 = tpu.memref_squeeze %dma_wait3A_20 : memref<1x128x128xf32, #tpu.memory_space<vmem>> -> memref<128x128xf32, #tpu.memory_space<vmem>>
    %dma_wait3A_22 = arith.constant 0 : i32
    %dma_wait3A_23 = arith.constant 0 : i32
    %dma_wait3A_24 = tpu.memref_slice %arg5[%dma_wait3A_22, %dma_wait3A_23] : memref<10112x128xf32, #tpu.memory_space<hbm>> -> memref<128x128xf32, #tpu.memory_space<hbm>>
    %dma_wait3A_25 = arith.constant 0 : i32
    %dma_wait3A_26 = arith.constant 0 : i32
    %dma_wait3A_27 = tpu.memref_slice %arg10[%dma_wait3A, %dma_wait3A_25, %dma_wait3A_26] : memref<2x128x128xf32, #tpu.memory_space<vmem>> -> memref<1x128x128xf32, #tpu.memory_space<vmem>>
    %dma_wait3A_28 = tpu.memref_squeeze %dma_wait3A_27 : memref<1x128x128xf32, #tpu.memory_space<vmem>> -> memref<128x128xf32, #tpu.memory_space<vmem>>
    %dma_wait3A_29 = arith.constant 0 : i32
    %dma_wait3A_30 = arith.constant 0 : i32
    %dma_wait3A_31 = tpu.memref_slice %arg5[%dma_wait3A_29, %dma_wait3A_30] : memref<10112x128xf32, #tpu.memory_space<hbm>> -> memref<128x128xf32, #tpu.memory_space<hbm>>
    tpu.wait_dma2 semaphore(%arg13 : memref<!tpu.dma_semaphore, #tpu.memory_space<semaphore_mem>>) src(%dma_wait3A_31 : memref<128x128xf32, #tpu.memory_space<hbm>>) dst(%dma_wait3A_28 : memref<128x128xf32, #tpu.memory_space<vmem>>)
    %dma_wait3A_32 = arith.constant 1 : i32
    %dma_wait3A_33 = arith.constant 0 : i32
    %dma_wait3A_34 = arith.constant 0 : i32
    %dma_wait3A_35 = tpu.memref_slice %arg10[%dma_wait3A_32, %dma_wait3A_33, %dma_wait3A_34] : memref<2x128x128xf32, #tpu.memory_space<vmem>> -> memref<1x128x128xf32, #tpu.memory_space<vmem>>
    %dma_wait3A_36 = tpu.memref_squeeze %dma_wait3A_35 : memref<1x128x128xf32, #tpu.memory_space<vmem>> -> memref<128x128xf32, #tpu.memory_space<vmem>>
    %dma_wait3A_37 = arith.constant 0 : i32
    %dma_wait3A_38 = arith.constant 0 : i32
    %dma_wait3A_39 = tpu.memref_slice %arg5[%dma_wait3A_37, %dma_wait3A_38] : memref<10112x128xf32, #tpu.memory_space<hbm>> -> memref<128x128xf32, #tpu.memory_space<hbm>>
    %dma_wait3A_40 = arith.constant 0 : i32
    %dma_wait3A_41 = arith.constant 0 : i32
    %dma_wait3A_42 = tpu.memref_slice %arg10[%dma_wait3A_32, %dma_wait3A_40, %dma_wait3A_41] : memref<2x128x128xf32, #tpu.memory_space<vmem>> -> memref<1x128x128xf32, #tpu.memory_space<vmem>>
    %dma_wait3A_43 = tpu.memref_squeeze %dma_wait3A_42 : memref<1x128x128xf32, #tpu.memory_space<vmem>> -> memref<128x128xf32, #tpu.memory_space<vmem>>
    %dma_wait3A_44 = arith.constant 0 : i32
    %dma_wait3A_45 = arith.constant 0 : i32
    %dma_wait3A_46 = tpu.memref_slice %arg5[%dma_wait3A_44, %dma_wait3A_45] : memref<10112x128xf32, #tpu.memory_space<hbm>> -> memref<128x128xf32, #tpu.memory_space<hbm>>
    tpu.wait_dma2 semaphore(%arg14 : memref<!tpu.dma_semaphore, #tpu.memory_space<semaphore_mem>>) src(%dma_wait3A_46 : memref<128x128xf32, #tpu.memory_space<hbm>>) dst(%dma_wait3A_43 : memref<128x128xf32, #tpu.memory_space<vmem>>)
    %barrier3A_47 = arith.constant 0 : index
    tpu.barrier barrier_id(%barrier3A_47)
    %mul3A_48 = arith.constant 10112 : i32
    %mul3A_49 = arith.muli %arg0, %mul3A_48 : i32
    %add3A_50 = arith.addi %mul3A_49, %mul3A_0 : i32
    "tpu.region"() ({
      %run_scoped3A = tpu.sem_alloc : memref<!tpu.dma_semaphore, #tpu.memory_space<semaphore_mem>>
      %dma_start3A_51 = arith.constant 0 : i32
      %dma_start3A_52 = tpu.memref_slice %arg6[%add3A_50, %dma_start3A_51] : memref<20224x128xf32, #tpu.memory_space<hbm>> -> memref<632x128xf32, #tpu.memory_space<hbm>>
      %dma_start3A_53 = arith.constant 0 : i32
      %dma_start3A_54 = tpu.memref_slice %arg11[%mul3A_0, %dma_start3A_53] : memref<10112x128xf32, #tpu.memory_space<vmem_shared>> -> memref<632x128xf32, #tpu.memory_space<vmem_shared>>
      tpu.enqueue_dma source(%dma_start3A_54 : memref<632x128xf32, #tpu.memory_space<vmem_shared>>) target(%dma_start3A_52 : memref<632x128xf32, #tpu.memory_space<hbm>>) target_semaphore(%run_scoped3A : memref<!tpu.dma_semaphore, #tpu.memory_space<semaphore_mem>>)
      %dma_wait3A_55 = arith.constant 0 : i32
      %dma_wait3A_56 = tpu.memref_slice %arg6[%add3A_50, %dma_wait3A_55] : memref<20224x128xf32, #tpu.memory_space<hbm>> -> memref<632x128xf32, #tpu.memory_space<hbm>>
      %dma_wait3A_57 = arith.constant 0 : i32
      %dma_wait3A_58 = tpu.memref_slice %arg11[%mul3A_0, %dma_wait3A_57] : memref<10112x128xf32, #tpu.memory_space<vmem_shared>> -> memref<632x128xf32, #tpu.memory_space<vmem_shared>>
      tpu.wait_dma2 semaphore(%run_scoped3A : memref<!tpu.dma_semaphore, #tpu.memory_space<semaphore_mem>>) src(%dma_wait3A_58 : memref<632x128xf32, #tpu.memory_space<vmem_shared>>) dst(%dma_wait3A_56 : memref<632x128xf32, #tpu.memory_space<hbm>>)
      tpu.yield
    }) : () -> ()
    return
  }
}

module attributes {stable_mosaic.version = 14 : i64} {
  func.func @_tc1_body(%arg0: i32, %arg1: memref<128x128xf32, #tpu.memory_space<vmem>>, %arg2: memref<128x128xf32, #tpu.memory_space<vmem>>, %arg3: memref<128x128xf32, #tpu.memory_space<vmem>>) attributes {dimension_semantics = [#tpu.dimension_semantics<arbitrary>], iteration_bounds = array<i64: 79>, scalar_prefetch = 0 : i64, scratch_operands = 0 : i64, tpu.core_type = #tpu.core_type<tc>, window_params = [{transform_indices = @transform_0, window_bounds = array<i64: 128, 128>}, {transform_indices = @transform_1, window_bounds = array<i64: 128, 128>}, {transform_indices = @transform_2, window_bounds = array<i64: 128, 128>}]} {
    %get3A = arith.constant 0 : index
    %get3A_0 = arith.constant 0 : index
    %get3A_1 = vector.load %arg2[%get3A, %get3A_0] : memref<128x128xf32, #tpu.memory_space<vmem>>, vector<128x1xf32>
    %max3A = arith.constant 1.000000e+00 : f32
    %max3A_2 = vector.broadcast %max3A : f32 to vector<128x1xf32>
    %max3A_3 = arith.maximumf %get3A_1, %max3A_2 : vector<128x1xf32>
    %rsqrt3A = math.rsqrt %max3A_3 : vector<128x1xf32>
    %get3A_4 = arith.constant 0 : index
    %get3A_5 = arith.constant 0 : index
    %get3A_6 = vector.load %arg1[%get3A_4, %get3A_5] : memref<128x128xf32, #tpu.memory_space<vmem>>, vector<128x128xf32>
    %mul3A = vector.broadcast %rsqrt3A : vector<128x1xf32> to vector<128x128xf32>
    %mul3A_7 = arith.mulf %get3A_6, %mul3A : vector<128x128xf32>
    %swap3A = arith.constant 0 : index
    %swap3A_8 = arith.constant 0 : index
    %swap3A_9 = vector.load %arg3[%swap3A, %swap3A_8] : memref<128x128xf32, #tpu.memory_space<vmem>>, vector<128x128xf32>
    tpu.vector_store %arg3[%swap3A, %swap3A_8], %mul3A_7 {strides = array<i32>} : memref<128x128xf32, #tpu.memory_space<vmem>>, vector<128x128xf32>,
    return
  }
  func.func @transform_0(%arg0: i32) -> (i32, i32) {
    %c0_i32 = arith.constant 0 : i32
    %c0_i32_0 = arith.constant 0 : i32
    return %arg0, %c0_i32 : i32, i32
  }
  func.func @transform_1(%arg0: i32) -> (i32, i32) {
    %c0_i32 = arith.constant 0 : i32
    %c0_i32_0 = arith.constant 0 : i32
    return %arg0, %c0_i32 : i32, i32
  }
  func.func @transform_2(%arg0: i32) -> (i32, i32) {
    %c0_i32 = arith.constant 0 : i32
    %c0_i32_0 = arith.constant 0 : i32
    return %arg0, %c0_i32 : i32, i32
  }
}

module attributes {stable_mosaic.version = 14 : i64} {
  func.func @_tc2_body(%arg0: i32, %arg1: i32, %arg2: memref<128x128xf32, #tpu.memory_space<vmem>>, %arg3: memref<128x128xf32, #tpu.memory_space<vmem>>, %arg4: memref<128x128xf32, #tpu.memory_space<vmem>>, %arg5: memref<128x128xf32, #tpu.memory_space<vmem>>, %arg6: memref<128x128xf32, #tpu.memory_space<vmem>>, %arg7: memref<1x128xf32, #tpu.memory_space<vmem>>, %arg8: memref<128x128xf32, #tpu.memory_space<vmem>>) attributes {dimension_semantics = [#tpu.dimension_semantics<arbitrary>, #tpu.dimension_semantics<arbitrary>], iteration_bounds = array<i64: 2, 79>, scalar_prefetch = 0 : i64, scratch_operands = 0 : i64, tpu.core_type = #tpu.core_type<tc>, window_params = [{transform_indices = @transform_0, window_bounds = array<i64: 128, 128>}, {transform_indices = @transform_1, window_bounds = array<i64: 128, 128>}, {transform_indices = @transform_2, window_bounds = array<i64: 128, 128>}, {transform_indices = @transform_3, window_bounds = array<i64: 128, 128>}, {transform_indices = @transform_4, window_bounds = array<i64: 128, 128>}, {transform_indices = @transform_5, window_bounds = array<i64: 1, 128>}, {transform_indices = @transform_6, window_bounds = array<i64: 128, 128>}]} {
    %get3A = arith.constant 0 : index
    %get3A_0 = arith.constant 0 : index
    %get3A_1 = vector.load %arg2[%get3A, %get3A_0] : memref<128x128xf32, #tpu.memory_space<vmem>>, vector<128x128xf32>
    %get3A_2 = arith.constant 0 : index
    %get3A_3 = arith.constant 0 : index
    %get3A_4 = vector.load %arg3[%get3A_2, %get3A_3] : memref<128x128xf32, #tpu.memory_space<vmem>>, vector<128x128xf32>
    %add3A = arith.addf %get3A_1, %get3A_4 : vector<128x128xf32>
    %get3A_5 = arith.constant 0 : index
    %get3A_6 = arith.constant 0 : index
    %get3A_7 = vector.load %arg5[%get3A_5, %get3A_6] : memref<128x128xf32, #tpu.memory_space<vmem>>, vector<128x1xf32>
    %max3A = arith.constant 1.000000e+00 : f32
    %max3A_8 = vector.broadcast %max3A : f32 to vector<128x1xf32>
    %max3A_9 = arith.maximumf %get3A_7, %max3A_8 : vector<128x1xf32>
    %rsqrt3A = math.rsqrt %max3A_9 : vector<128x1xf32>
    %mul3A = vector.broadcast %rsqrt3A : vector<128x1xf32> to vector<128x128xf32>
    %mul3A_10 = arith.mulf %mul3A, %add3A : vector<128x128xf32>
    %get3A_11 = arith.constant 0 : index
    %get3A_12 = arith.constant 0 : index
    %get3A_13 = vector.load %arg6[%get3A_11, %get3A_12] : memref<128x128xf32, #tpu.memory_space<vmem>>, vector<128x128xf32>
    %dot_general3A = arith.constant dense<0.000000e+00> : vector<128x128xf32>
    %dot_general3A_14 = tpu.matmul %mul3A_10, %get3A_13, %dot_general3A {dimension_numbers = #tpu.dot_dimension_numbers<[1], [0], [0], [1], [0, 0, 1, 1], [], []>, transpose_lhs_hint = false} : vector<128x128xf32>, vector<128x128xf32>, vector<128x128xf32> -> vector<128x128xf32>
    %get3A_15 = arith.constant 0 : index
    %get3A_16 = arith.constant 0 : index
    %get3A_17 = vector.load %arg7[%get3A_15, %get3A_16] : memref<1x128xf32, #tpu.memory_space<vmem>>, vector<1x128xf32>
    %add3A_18 = vector.broadcast %get3A_17 : vector<1x128xf32> to vector<128x128xf32>
    %add3A_19 = arith.addf %dot_general3A_14, %add3A_18 : vector<128x128xf32>
    %gt3A = arith.constant 0.000000e+00 : f32
    %gt3A_20 = vector.broadcast %gt3A : f32 to vector<128x128xf32>
    %gt3A_21 = arith.cmpf ogt, %add3A_19, %gt3A_20 : vector<128x128xf32>
    %mul3A_22 = arith.constant 0.00999999977 : f32
    %mul3A_23 = vector.broadcast %mul3A_22 : f32 to vector<128x128xf32>
    %mul3A_24 = arith.mulf %mul3A_23, %add3A_19 : vector<128x128xf32>
    %select_n3A = arith.select %gt3A_21, %add3A_19, %mul3A_24 : vector<128x128xi1>, vector<128x128xf32>
    %get3A_25 = arith.constant 0 : index
    %get3A_26 = arith.constant 0 : index
    %get3A_27 = vector.load %arg4[%get3A_25, %get3A_26] : memref<128x128xf32, #tpu.memory_space<vmem>>, vector<128x1xf32>
    %max3A_28 = arith.constant 1.000000e+00 : f32
    %max3A_29 = vector.broadcast %max3A_28 : f32 to vector<128x1xf32>
    %max3A_30 = arith.maximumf %get3A_27, %max3A_29 : vector<128x1xf32>
    %rsqrt3A_31 = math.rsqrt %max3A_30 : vector<128x1xf32>
    %mul3A_32 = vector.broadcast %rsqrt3A_31 : vector<128x1xf32> to vector<128x128xf32>
    %mul3A_33 = arith.mulf %mul3A_32, %select_n3A : vector<128x128xf32>
    %swap3A = arith.constant 0 : index
    %swap3A_34 = arith.constant 0 : index
    %swap3A_35 = vector.load %arg8[%swap3A, %swap3A_34] : memref<128x128xf32, #tpu.memory_space<vmem>>, vector<128x128xf32>
    tpu.vector_store %arg8[%swap3A, %swap3A_34], %mul3A_33 {strides = array<i32>} : memref<128x128xf32, #tpu.memory_space<vmem>>, vector<128x128xf32>,
    return
  }
  func.func @transform_0(%arg0: i32, %arg1: i32) -> (i32, i32) {
    %c0_i32 = arith.constant 0 : i32
    %c0_i32_0 = arith.constant 0 : i32
    return %arg1, %c0_i32 : i32, i32
  }
  func.func @transform_1(%arg0: i32, %arg1: i32) -> (i32, i32) {
    %add3A = arith.constant 79 : i32
    %add3A_0 = arith.addi %add3A, %arg1 : i32
    %c0_i32 = arith.constant 0 : i32
    %c0_i32_1 = arith.constant 0 : i32
    return %add3A_0, %c0_i32 : i32, i32
  }
  func.func @transform_2(%arg0: i32, %arg1: i32) -> (i32, i32) {
    %c0_i32 = arith.constant 0 : i32
    %c0_i32_0 = arith.constant 0 : i32
    return %arg1, %c0_i32 : i32, i32
  }
  func.func @transform_3(%arg0: i32, %arg1: i32) -> (i32, i32) {
    %add3A = arith.constant 79 : i32
    %add3A_0 = arith.addi %add3A, %arg1 : i32
    %c0_i32 = arith.constant 0 : i32
    %c0_i32_1 = arith.constant 0 : i32
    return %add3A_0, %c0_i32 : i32, i32
  }
  func.func @transform_4(%arg0: i32, %arg1: i32) -> (i32, i32) {
    %c0_i32 = arith.constant 0 : i32
    %c0_i32_0 = arith.constant 0 : i32
    return %c0_i32, %arg0 : i32, i32
  }
  func.func @transform_5(%arg0: i32, %arg1: i32) -> (i32, i32) {
    %c0_i32 = arith.constant 0 : i32
    %c0_i32_0 = arith.constant 0 : i32
    return %c0_i32, %arg0 : i32, i32
  }
  func.func @transform_6(%arg0: i32, %arg1: i32) -> (i32, i32) {
    %mul3A = arith.constant 79 : i32
    %mul3A_0 = arith.muli %arg0, %mul3A : i32
    %add3A = arith.addi %mul3A_0, %arg1 : i32
    %c0_i32 = arith.constant 0 : i32
    %c0_i32_1 = arith.constant 0 : i32
    return %add3A, %c0_i32 : i32, i32
  }
}

module attributes {stable_mosaic.version = 14 : i64} {
  func.func @_tc3_body(%arg0: i32, %arg1: i32, %arg2: memref<128x128xf32, #tpu.memory_space<vmem>>, %arg3: memref<128x128xf32, #tpu.memory_space<vmem>>, %arg4: memref<128x128xf32, #tpu.memory_space<vmem>>, %arg5: memref<256x128xf32, #tpu.memory_space<vmem>>, %arg6: memref<1x128xf32, #tpu.memory_space<vmem>>, %arg7: memref<128x128xf32, #tpu.memory_space<vmem>>) attributes {dimension_semantics = [#tpu.dimension_semantics<arbitrary>, #tpu.dimension_semantics<arbitrary>], iteration_bounds = array<i64: 2, 79>, scalar_prefetch = 0 : i64, scratch_operands = 0 : i64, tpu.core_type = #tpu.core_type<tc>, window_params = [{transform_indices = @transform_0, window_bounds = array<i64: 128, 128>}, {transform_indices = @transform_1, window_bounds = array<i64: 128, 128>}, {transform_indices = @transform_2, window_bounds = array<i64: 128, 128>}, {transform_indices = @transform_3, window_bounds = array<i64: 256, 128>}, {transform_indices = @transform_4, window_bounds = array<i64: 1, 128>}, {transform_indices = @transform_5, window_bounds = array<i64: 128, 128>}]} {
    %get3A = arith.constant 0 : index
    %get3A_0 = arith.constant 0 : index
    %get3A_1 = vector.load %arg2[%get3A, %get3A_0] : memref<128x128xf32, #tpu.memory_space<vmem>>, vector<128x128xf32>
    %get3A_2 = arith.constant 0 : index
    %get3A_3 = arith.constant 0 : index
    %get3A_4 = vector.load %arg3[%get3A_2, %get3A_3] : memref<128x128xf32, #tpu.memory_space<vmem>>, vector<128x128xf32>
    %concatenate3A = tpu.concatenate %get3A_1, %get3A_4 in 1 : vector<128x128xf32>, vector<128x128xf32> -> vector<128x256xf32>
    %get3A_5 = arith.constant 0 : index
    %get3A_6 = arith.constant 0 : index
    %get3A_7 = vector.load %arg4[%get3A_5, %get3A_6] : memref<128x128xf32, #tpu.memory_space<vmem>>, vector<128x1xf32>
    %max3A = arith.constant 1.000000e+00 : f32
    %max3A_8 = vector.broadcast %max3A : f32 to vector<128x1xf32>
    %max3A_9 = arith.maximumf %get3A_7, %max3A_8 : vector<128x1xf32>
    %rsqrt3A = math.rsqrt %max3A_9 : vector<128x1xf32>
    %mul3A = vector.broadcast %rsqrt3A : vector<128x1xf32> to vector<128x256xf32>
    %mul3A_10 = arith.mulf %mul3A, %concatenate3A : vector<128x256xf32>
    %get3A_11 = arith.constant 0 : index
    %get3A_12 = arith.constant 0 : index
    %get3A_13 = vector.load %arg5[%get3A_11, %get3A_12] : memref<256x128xf32, #tpu.memory_space<vmem>>, vector<256x128xf32>
    %dot_general3A = arith.constant dense<0.000000e+00> : vector<128x128xf32>
    %dot_general3A_14 = tpu.matmul %mul3A_10, %get3A_13, %dot_general3A {dimension_numbers = #tpu.dot_dimension_numbers<[1], [0], [0], [1], [0, 0, 1, 1], [], []>, transpose_lhs_hint = false} : vector<128x256xf32>, vector<256x128xf32>, vector<128x128xf32> -> vector<128x128xf32>
    %get3A_15 = arith.constant 0 : index
    %get3A_16 = arith.constant 0 : index
    %get3A_17 = vector.load %arg6[%get3A_15, %get3A_16] : memref<1x128xf32, #tpu.memory_space<vmem>>, vector<1x128xf32>
    %add3A = vector.broadcast %get3A_17 : vector<1x128xf32> to vector<128x128xf32>
    %add3A_18 = arith.addf %dot_general3A_14, %add3A : vector<128x128xf32>
    %swap3A = arith.constant 0 : index
    %swap3A_19 = arith.constant 0 : index
    %swap3A_20 = vector.load %arg7[%swap3A, %swap3A_19] : memref<128x128xf32, #tpu.memory_space<vmem>>, vector<128x128xf32>
    tpu.vector_store %arg7[%swap3A, %swap3A_19], %add3A_18 {strides = array<i32>} : memref<128x128xf32, #tpu.memory_space<vmem>>, vector<128x128xf32>,
    return
  }
  func.func @transform_0(%arg0: i32, %arg1: i32) -> (i32, i32) {
    %c0_i32 = arith.constant 0 : i32
    %c0_i32_0 = arith.constant 0 : i32
    return %arg1, %c0_i32 : i32, i32
  }
  func.func @transform_1(%arg0: i32, %arg1: i32) -> (i32, i32) {
    %add3A = arith.constant 79 : i32
    %add3A_0 = arith.addi %add3A, %arg1 : i32
    %c0_i32 = arith.constant 0 : i32
    %c0_i32_1 = arith.constant 0 : i32
    return %add3A_0, %c0_i32 : i32, i32
  }
  func.func @transform_2(%arg0: i32, %arg1: i32) -> (i32, i32) {
    %add3A = arith.constant 79 : i32
    %add3A_0 = arith.addi %add3A, %arg1 : i32
    %c0_i32 = arith.constant 0 : i32
    %c0_i32_1 = arith.constant 0 : i32
    return %add3A_0, %c0_i32 : i32, i32
  }
  func.func @transform_3(%arg0: i32, %arg1: i32) -> (i32, i32) {
    %c0_i32 = arith.constant 0 : i32
    %c0_i32_0 = arith.constant 0 : i32
    return %c0_i32, %arg0 : i32, i32
  }
  func.func @transform_4(%arg0: i32, %arg1: i32) -> (i32, i32) {
    %c0_i32 = arith.constant 0 : i32
    %c0_i32_0 = arith.constant 0 : i32
    return %c0_i32, %arg0 : i32, i32
  }
  func.func @transform_5(%arg0: i32, %arg1: i32) -> (i32, i32) {
    %c0_i32 = arith.constant 0 : i32
    return %arg1, %arg0 : i32, i32
  }
}

</mosaic_0001>

<sc_bundles>
// kernel: kernel.11.cloned.1.call-start
scs
__scs_entry_jumppad:
0x0: {  	(pc) =	sbr.rel $0x88, $3  }
0x1: {  	(tag) =	ssettag $0x0;
	lr =	simm.s32 $0x1  }
0x2: {  	[smem:$0x3F9B] =	sst lr;
	_ =	strace $0xD0000000  }
0x3: {  	_ = 	snop  }
0x4: {  	_ = 	snop  }
0x5: {  	_ = 	snop  }
0x6: {  	_ = 	snop  }
0x7: {  	_ = 	snop  }
__scs_overlays_trampoline_lowered:
0x8: {  	[smem:$0x3FAA] =	sst s0  }
0x9: {  	[smem:$0x3FAB] =	sst s1  }
0xa: {  	[smem:$0x3FAC] =	sst s2  }
0xb: {  	[smem:$0x3FAD] =	sst s3  }
0xc: {  	[smem:$0x3FAE] =	sst s4  }
0xd: {  	[smem:$0x3FAF] =	sst s5  }
0xe: {  	[smem:$0x3FB0] =	sst s6  }
0xf: {  	[smem:$0x3FB1] =	sst s7  }
0x10: {  	[smem:$0x3FB2] =	sst s8  }
0x11: {  	[smem:$0x3FB3] =	sst s9;
	s0 =	simm.s32 @!p0 $0x0  }
0x12: {  	s1 =	sld [smem:$0x3F99];
	s0 =	simm.s32 @p0 $0x1  }
0x13: {  	[smem:$0x3FB4] =	sst s0;
	s0 =	simm.s32 @!p1 $0x0  }
0x14: {  	s2 =	sld [smem:$0x3F98];
	s0 =	simm.s32 @p1 $0x1  }
0x15: {  	[smem:$0x3FB5] =	sst s0;
	s0 =	simm.s32 @!p2 $0x0  }
0x16: {  	s3 =	sld [smem:$0x3FDB];
	s0 =	simm.s32 @p2 $0x1  }
0x17: {  	s4 =	simm.s32 $0x1BF5;
	[smem:$0x3FB7] =	sst s0  }
0x18: {  	s0 =	sld [smem:$0x3F9A];
	_ =	swait.ge [sflag:s4], $0x0  }
0x19: {  	s7 =	sld [smem:$0x3F9B]  }
0x1a: {  	s8 =	sadd.s32 $0xFFFFE003, lr  }
0x1b: {  	s9 =	sadd.s32 $0xFFFFFEF7, lr;
	s5 =	simm.s32 $0xFFFFFFFF;
	p2 =	slt.u32 s8, $0xFFFFF086  }
0x1c: {  	p1 =	slt.u32 s9, $0xF7A;
	s5 =	simm.s32 @!p2 $0x0  }
0x1d: {  	s5 =	simm.s32 @p1 $0x1;
	p0 =	seq.s32 s7, s2  }
0x1e: {  	s7 =	smul.u32 @!p0 $0xF7A, s2;
	p2 =	seq.s32 @!p0 s5, $0x0  }
0x1f: {  	s9 =	smul.u32 $0xF7A, s1;
	s8 =	simm.s32 @!p0 $0x1BF5;
	p2 =	por !p2, p0  }
0x20: {  	[sflag:s8] =	ssyncset.s32 @!p0 $0xFFFFF086;
	s6 =	sadd.s32 @!p0 s3, s7;
	s7 =	simm.s32 @!p0 $0x108  }
0x21: {  	s3 =	sadd.s32 s3, s9;
	s6 =	sadd.s32 @!p0 $0x88, s6;
	s7 =	simm.s32 @p2 $0x1082  }
0x22: {  	[simem:s7], [sflag:s8] =	dma.local @!p0 [hbm:s6], $0xF7A  }
0x23: {  	s9 =	sor.u32 $0xD0000000, s2;
	s6 =	simm.s32 $0x108;
	_ =	swait.ge @!p0 [sflag:s8], $0x0  }
0x24: {  	s3 =	sadd.s32 $0x88, s3;
	s6 =	simm.s32 @!p1 $0x1082;
	[sflag:s4] =	ssyncset.s32 $0xFFFFF086  }
0x25: {  	[simem:s6], [sflag:s4] =	dma.local [hbm:s3], $0xF7A  }
0x26: {  	[smem:$0x3F9B] =	sst s1;
	(tag) =	ssettag s2;
	_ =	strace s9  }
0x27: {  	s1 =	sld [smem:$0x3FAB]  }
0x28: {  	s2 =	sld [smem:$0x3FAC]  }
0x29: {  	s4 =	sld [smem:$0x3FAE]  }
0x2a: {  	p0 =	seq.s32 s5, $0x0;
	s5 =	sld [smem:$0x3FAF]  }
0x2b: {  	s6 =	sld [smem:$0x3FB0]  }
0x2c: {  	s7 =	sld [smem:$0x3FB1]  }
0x2d: {  	s3 =	simm.s32 $0x108;
	s8 =	sld [smem:$0x3FB2]  }
0x2e: {  	s3 =	simm.s32 @!p0 $0x1082;
	s9 =	sld [smem:$0x3FB3]  }
0x2f: {  	lr =	sadd.s32 s0, s3;
	s0 =	sld [smem:$0x3FAA]  }
0x30: {  	s3 =	sld [smem:$0x3FAD]  }
0x31: {  	[smem:$0x3FB6] =	sst s10  }
0x32: {  	s10 =	sld [smem:$0x3FB4];
	_ =	sdelay $0x3  }
0x33: {  	p0 =	seq.s32 s10, $0x1;
	s10 =	sld [smem:$0x3FB6];
	_ =	sdelay $0x3  }
0x34: {  	[smem:$0x3FB6] =	sst s10  }
0x35: {  	s10 =	sld [smem:$0x3FB5];
	_ =	sdelay $0x3  }
0x36: {  	p1 =	seq.s32 s10, $0x1;
	s10 =	sld [smem:$0x3FB6];
	_ =	sdelay $0x3  }
0x37: {  	[smem:$0x3FB6] =	sst s10  }
0x38: {  	s10 =	sld [smem:$0x3FB7]  }
0x39: {  	_ = 	snop;
	(pc) =	sbr.ind lr, $3  }
0x3a: {  	_ = 	snop  }
0x3b: {  	_ = 	snop  }
0x3c: {  	p2 =	seq.s32 s10, $0x1;
	s10 =	sld [smem:$0x3FB6]  }
0x3d: {  	_ =	shalt  }
0x3e: {  	_ =	shalt  }
0x3f: {  	_ =	shalt  }
0x40: {  	_ =	shalt  }
0x41: {  	_ =	shalt  }
0x42: {  	_ =	shalt  }
0x43: {  	_ =	shalt  }
0x44: {  	_ =	shalt  }
0x45: {  	_ =	shalt  }
0x46: {  	_ =	shalt  }
0x47: {  	_ =	shalt  }
0x48: {  	_ =	shalt  }
0x49: {  	_ =	shalt  }
0x4a: {  	_ =	shalt  }
0x4b: {  	_ =	shalt  }
0x4c: {  	_ =	shalt  }
0x4d: {  	_ =	shalt  }
0x4e: {  	_ =	shalt  }
0x4f: {  	_ =	shalt  }
0x50: {  	_ =	shalt  }
0x51: {  	_ =	shalt  }
0x52: {  	_ =	shalt  }
0x53: {  	_ =	shalt  }
0x54: {  	_ =	shalt  }
0x55: {  	_ =	shalt  }
0x56: {  	_ =	shalt  }
0x57: {  	_ =	shalt  }
0x58: {  	_ =	shalt  }
0x59: {  	_ =	shalt  }
0x5a: {  	_ =	shalt  }
0x5b: {  	_ =	shalt  }
0x5c: {  	_ =	shalt  }
0x5d: {  	_ =	shalt  }
0x5e: {  	_ =	shalt  }
0x5f: {  	_ =	shalt  }
0x60: {  	_ =	shalt  }
0x61: {  	_ =	shalt  }
0x62: {  	_ =	shalt  }
0x63: {  	_ =	shalt  }
0x64: {  	_ =	shalt  }
0x65: {  	_ =	shalt  }
0x66: {  	_ =	shalt  }
0x67: {  	_ =	shalt  }
0x68: {  	_ =	shalt  }
0x69: {  	_ =	shalt  }
0x6a: {  	_ =	shalt  }
0x6b: {  	_ =	shalt  }
0x6c: {  	_ =	shalt  }
0x6d: {  	_ =	shalt  }
0x6e: {  	_ =	shalt  }
0x6f: {  	_ =	shalt  }
0x70: {  	_ =	shalt  }
0x71: {  	_ =	shalt  }
0x72: {  	_ =	shalt  }
0x73: {  	_ =	shalt  }
0x74: {  	_ =	shalt  }
0x75: {  	_ =	shalt  }
0x76: {  	_ =	shalt  }
0x77: {  	_ =	shalt  }
0x78: {  	_ =	shalt  }
0x79: {  	_ =	shalt  }
0x7a: {  	_ =	shalt  }
0x7b: {  	_ =	shalt  }
0x7c: {  	_ =	shalt  }
0x7d: {  	_ =	shalt  }
0x7e: {  	_ =	shalt  }
0x7f: {  	_ =	shalt  }
0x80: {  	_ =	shalt  }
0x81: {  	_ =	shalt  }
0x82: {  	_ =	shalt  }
0x83: {  	_ =	shalt  }
0x84: {  	_ =	shalt  }
0x85: {  	_ =	shalt  }
0x86: {  	_ =	shalt  }
0x87: {  	_ =	shalt  }
.Lfunc_end0:
.L_simem_size_0:
called_computation.1_lowered:
.L_overlay_start_0:
0x88: {  	s2 =	sld [smem:$0x3FD9]  }
0x89: {  	s3 =	sld [smem:$0x3FFE];
	_ =	sdelay $0x1  }
0x8a: {  	s1 =	srdreg.scid  }
0x8b: {  	s0 =	sand.u32 $0x1, s1  }
0x8c: {  	s17 =	sshll.u32 s0, $0xA;
	s2 =	sadd.s32 s3, s2  }
0x8d: {  	s2 =	sadd.s32 s2, s17  }
0x8e: {  	[smem:$0x3FC2] =	sst s2  }
0x8f: {  	_ = 	snop  }
0x90: {  	s2 =	sld [smem:$0x3FD0];
	(tm) =	ssettm $0x1  }
0x91: {  	s18 =	sld [smem:$0x3FFB];
	_ =	sdelay $0x3  }
0x92: {  	_ =	strace s18  }
0x93: {  	s3 =	sld [smem:$0x3FFC];
	_ =	sdelay $0x3  }
0x94: {  	_ =	strace s3  }
0x95: {  	s3 =	sld [smem:$0x3FFD];
	_ =	sdelay $0x3  }
0x96: {  	_ =	strace s3  }
0x97: {  	_ =	strace $0x8FFFFFFF  }
0x98: {  	s19 =	sld [smem:$0x3FDB];
	_ =	sdelay $0x1  }
0x99: {  	s4 =	simm.s32 $_scs_section_size  }
0x9a: {  	s5 =	simm.s32 $_size__tile_overlayer_lowered;
	s6 =	simm.s32 $_tile_overlayer_lowered  }
0x9b: {  	s22 =	simm.s32 $0x1BFF;
	s21 =	sshll.u32 s6, $0x1;
	s3 =	sadd.s32 s4, s19  }
0x9c: {  	s7 =	simm.s32 $0x0;
	s20 =	sshll.u32 s5, $0x1;
	s5 =	sadd.s32 s21, s3  }
0x9d: {  	[timem:s7], [sflag:s22] =	dma.local [hbm:s5], s20  }
0x9e: {  	_ =	swait.ge [sflag:s22], s20  }
0x9f: {  	s4 =	ssub.s32 $0x0, s20;
	[sflag:s22] =	ssyncset.done $0x0  }
0xa0: {  	[sflag:s22] =	ssyncadd.s32 s4;
	_ =	sdelay $0x1  }
0xa1: {  	s23 =	simm.s32 $0x1B8B  }
0xa2: {  	_ =	swait.ge [sflag:s23], $0x1  }
0xa3: {  	[sflag:s23] =	ssyncset.done $0x0  }
0xa4: {  	s25 =	simm.s32 $0x1B8E;
	s24 =	sld [smem:$0x3FFE];
	[sflag:s23] =	ssyncadd.s32 $0xFFFFFFFF  }
0xa5: {  	s26 =	simm.s32 $execute0_lowered;
	[smem:$0x3FD2] =	sst s25  }
0xa6: {  	s5 =	sshll.u32 s26, $0x1;
	_ =	strace $0x80000049;
	[dreg:$0x1] =	wrdreg $0xFFFFFFFF  }
0xa7: {  	s28 =	simm.s32 $_size_execute0_lowered;
	s3 =	sadd.s32 s3, s5;
	[dreg:$0x0] =	wrdreg $0x0  }
0xa8: {  	s5 =	sshll.u32 s28, $0x1;
	[dreg:$0x2] =	wrdreg s3  }
0xa9: {  	[dreg:$0x3] =	wrdreg s5  }
0xaa: {  	[dreg:$0x4] =	wrdreg $0xC0  }
0xab: {  	_ =	task [dreg:s7], $0x5FFFF  }
0xac: {  	[dreg:$0x1] =	wrdreg $0xFFFFFFFF  }
0xad: {  	[dreg:$0x0] =	wrdreg $0x60  }
0xae: {  	[dreg:$0x2] =	wrdreg s24  }
0xaf: {  	[dreg:$0x3] =	wrdreg s2  }
0xb0: {  	[dreg:$0x4] =	wrdreg $0x82000  }
0xb1: {  	[dreg:$0x5] =	wrdreg $0x9  }
0xb2: {  	_ =	task.clear_ibuf [dreg:s7], $0x6FFFF;
	_ =	strace $0x90000049  }
0xb3: {  	s29 =	simm.s32 $0x9;
	_ =	strace $0x8000004B  }
0xb4: {  	_ =	swait.ge [sflag:s29], $0x1  }
0xb5: {  	[sflag:s29] =	ssyncadd.s32 $0xFFFFFFFF  }
0xb6: {  	_ =	strace $0x9000004B  }
0xb7: {  	_ =	sfence  }
0xb8: {  	s30 =	sld [smem:$0x0];
	_ =	sdelay $0x2  }
0xb9: {  	s31 =	sshll.u32 s1, $0xD;
	s1 =	sshrl.u32 s1, $0x2  }
0xba: {  	s3 =	sand.u32 $0x4000, s31;
	s1 =	sadd.s32 s1, s30  }
0xbb: {  	s0 =	sor.u32 s3, s0;
	s1 =	sshll.u32 s1, $0x11  }
0xbc: {  	s0 =	sor.u32 s1, s0  }
0xbd: {  	s0 =	sadd.s32 $0x8F2B, s0  }
0xbe: {  	[sflag:s0] =	ssyncadd.remote.s32 $0x1  }
0xbf: {  	_ =	sfence.sel $0xFFFF  }
0xc0: {  	[dreg:$0x0] =	wrdreg $0xFFFFFFFF;
	(pc) =	sbr.abs _section_cstart, $3  }
0xc1: {  	[dreg:$0x1] =	wrdreg $0xFFFFFFFF  }
0xc2: {  	_ =	task.clear_ibuf [dreg:s7], $0x2FFFF;
	_ =	strace $0x9FFFFFFF  }
0xc3: {  	(tm) =	ssettm $0x7FFFFFFF  }
tec
execute0_lowered:
.L_overlay_start_1:
0x0: {  	(tag) =	ssettag $0x1  }
0x1: {  	s0 =	rddreg [dreg:$0x0]  }
0x2: {  	s3 =	rddreg [dreg:$0x1]  }
0x3: {  	s1 =	rddreg [dreg:$0x2];
	s2 =	simm.s32 $0x0;
	s4 =	srdreg.scid  }
0x4: {  	s16 =	stileid.u32;
	s28 =	simm.s32 $0x100;
	s29 =	simm.s32 $0x5  }
0x5: {  	s30 =	simm.s32 $0x4200;
	s31 =	simm.s32 $0x180;
	[smem:$0x7FF] =	sst s2  }
0x6: {  	s5 =	sadd.s32 $0xC400, s0;
	s6 =	sadd.s32 $0x2400, s0;
	s7 =	smul.u32 $0x2780, s16  }
0x7: {  	s9 =	sand.u32 $0x1, s4;
	s4 =	sadd.s32 $0x79C00, s0;
	s12 =	smul.u32 $0x4F000, s16  }
0x8: {  	s19 =	sshll.u32 s16, $0x6;
	s24 =	smul.u32 $0x2800, s16;
	_ =	strace $0x8000004A  }
0x9: {  	s8 =	smul.u32 $0x27800, s9;
	s10 =	sshll.u32 s9, $0x4;
	s11 =	ssub.s32 $0x2, s9  }
0xa: {  	s21 =	smul.u32 $0x28000, s9;
	s10 =	sor.u32 s16, s10;
	s13 =	sshrl.u32 s11, $0x1  }
0xb: {  	s18 =	sshrl.u32 s12, $0x2;
	s3 =	sadd.s32 s3, s7;
	s8 =	sadd.s32 s7, s8  }
0xc: {  	s10 =	smul.u32 $0x2800, s10;
	s11 =	ssub.s32 s11, s13;
	[dreg:$0x5] =	wrdreg s3  }
0xd: {  	s7 =	sor.u32 $0x1C06, s19;
	s3 =	sadd.s32 s24, s21;
	s24 =	simm.s32 $0x80  }
0xe: {  	s14 =	sadd.s32 s8, s0;
	s8 =	sadd.s32 s18, s1;
	s0 =	sadd.s32 $0xC410, s0  }
0xf: {  	s22 =	smax.u32 s11, $0x1;
	s9 =	sor.u32 $0x180, s3;
	s19 =	sor.u32 $0x200, s3  }
0x10: {  	s3 =	sor.u32 $0x100, s3;
	[dreg:$0x4] =	wrdreg s8;
	s15 =	sshrl.u32 s10, $0x3  }
0x11: {  	s20 =	sadd.s32 $0xA1400, s14;
	[dreg:$0x7] =	wrdreg s22;
	s9 =	sshrl.u32 s9, $0x3  }
0x12: {  	s26 =	sshrl.u32 s19, $0x3;
	s3 =	sshrl.u32 s3, $0x3;
	s22 =	simm.s32 $0x6  }
0x13: {  	s8 =	sadd.s32 s5, s15;
	[dreg:$0x6] =	wrdreg s20;
	s23 =	sadd.s32 s15, s0  }
0x14: {  	s12 =	sadd.s32 s6, s15;
	s25 =	sadd.s32 $0x4E0, s15;
	s18 =	sadd.s32 s9, s6  }
0x15: {  	s19 =	sadd.s32 s26, s5;
	s20 =	sadd.s32 s3, s0;
	s21 =	sadd.s32 s3, s6  }
0x16: {  	s26 =	simm.s32 $0x1;
	s3 =	simm.s32 $0x3;
	s5 =	simm.s32 $0x0  }
0x17: {  	[dreg:$0x8] =	wrdreg s23;
	s13 =	sadd.s32 $0x20, s8;
	s14 =	sadd.s32 $0x10, s12  }
0x18: {  	s15 =	sadd.s32 s25, s0;
	s16 =	sadd.s32 s6, s25;
	s17 =	sadd.s32 $0x4F0, s12  }
0x19: {  	s23 =	simm.s32 $0x4;
	s25 =	simm.s32 $0x200;
	s0 =	simm.s32 $0x2  }
.LBB2_1:
0x1a: {  	s6 =	rddreg [dreg:$0x4]  }
0x1b: {  	s9 =	rddreg [dreg:$0x5];
	s6 =	sshrl.u32 s6, $0x3  }
0x1c: {  	[spmem:s6], [sflag:s7] =	dma.local [hbm:s9], $0x2780  }
0x1d: {  	_ =	swait.ge [sflag:s22], $0x2780  }
0x1e: {  	[sflag:s22] =	ssyncset.done $0x0  }
0x1f: {  	[sflag:s22] =	ssyncadd.s32 $0xFFFFD880  }
0x20: {  	[bflag:$0x0] =	sbarrier.arrive $0xFFFF  }
0x21: {  	[tilespmem:s2], [sflag:$0x4] =	stream.linear.gather [hbm4b:s8+s2], $0x80, $0x38;
	[tilespmem:$0x1BE00] =	vst v63  }
0x22: {  	_ =	swait.ge [sflag:s23], $0x80  }
0x23: {  	[sflag:s23] =	ssyncset.done $0x0  }
0x24: {  	[sflag:s23] =	ssyncadd.s32 $0xFFFFFF80  }
0x25: {  	[tilespmem:s25], [sflag:$0x1] =	stream.indirect.gather [hbm4b:s4+s24], $0x80, s2, s24, $0xb8;
	[tilespmem:$0x1BE00] =	vst v63  }
0x26: {  	s11 =	rddreg [dreg:$0x8]  }
0x27: {  	[tilespmem:s24], [sflag:$0x5] =	stream.linear.gather [hbm4b:s11+s2], $0x80, $0x38;
	[tilespmem:$0x1BE00] =	vst v63  }
0x28: {  	_ =	swait.ge [sflag:s26], $0x4000  }
0x29: {  	[sflag:s26] =	ssyncset.done $0x0  }
0x2a: {  	[sflag:s26] =	ssyncadd.s32 $0xFFFFC000  }
0x2b: {  	[tilespmem:s28], [sflag:$0x6] =	stream.linear.gather [hbm4b:s12+s2], $0x80, $0x38;
	[tilespmem:$0x1BE00] =	vst v63  }
0x2c: {  	_ =	swait.ge [sflag:s22], $0x80  }
0x2d: {  	[sflag:s22] =	ssyncset.done $0x0  }
0x2e: {  	[sflag:s22] =	ssyncadd.s32 $0xFFFFFF80  }
0x2f: {  	[spmem:s1] =	stream.indirect.scatter.add.f32 [tilespmem:s25], [sflag:$0x2], $0x80, s28, s24, $0xb8;
	[tilespmem:$0x1BE00] =	vst v63  }
0x30: {  	_ =	swait.ge [sflag:s29], $0x80  }
0x31: {  	[sflag:s29] =	ssyncset.done $0x0  }
0x32: {  	[sflag:s29] =	ssyncadd.s32 $0xFFFFFF80  }
0x33: {  	[tilespmem:s30], [sflag:$0x1] =	stream.indirect.gather [hbm4b:s4+s24], $0x80, s24, s24, $0xb8;
	[tilespmem:$0x1BE00] =	vst v63  }
0x34: {  	_ = 	snop  }
0x35: {  	[tilespmem:s2], [sflag:$0x4] =	stream.linear.gather [hbm4b:s13+s2], $0x80, $0x38;
	[tilespmem:$0x1BE00] =	vst v63  }
0x36: {  	_ =	swait.ge [sflag:s26], $0x4000  }
0x37: {  	[sflag:s26] =	ssyncset.done $0x0  }
0x38: {  	[sflag:s26] =	ssyncadd.s32 $0xFFFFC000  }
0x39: {  	[tilespmem:s31], [sflag:$0x6] =	stream.linear.gather [hbm4b:s14+s2], $0x80, $0x38;
	[tilespmem:$0x1BE00] =	vst v63  }
0x3a: {  	_ =	swait.ge [sflag:s22], $0x80  }
0x3b: {  	[sflag:s22] =	ssyncset.done $0x0  }
0x3c: {  	[sflag:s22] =	ssyncadd.s32 $0xFFFFFF80  }
0x3d: {  	[spmem:s1] =	stream.indirect.scatter.add.f32 [tilespmem:s30], [sflag:$0x3], $0x80, s31, s24, $0xb8;
	[tilespmem:$0x1BE00] =	vst v63  }
0x3e: {  	_ =	swait.ge [sflag:s0], $0x4000  }
0x3f: {  	[sflag:s0] =	ssyncset.done $0x0  }
0x40: {  	[sflag:s0] =	ssyncadd.s32 $0xFFFFC000  }
0x41: {  	_ =	swait.ge [sflag:s23], $0x80  }
0x42: {  	[sflag:s23] =	ssyncset.done $0x0  }
0x43: {  	[sflag:s23] =	ssyncadd.s32 $0xFFFFFF80  }
0x44: {  	[tilespmem:s25], [sflag:$0x1] =	stream.indirect.gather [hbm4b:s4+s24], $0x80, s2, s24, $0xb8;
	[tilespmem:$0x1BE00] =	vst v63  }
0x45: {  	s10 =	sadd.s32 $0x0, s20  }
0x46: {  	[tilespmem:s24], [sflag:$0x5] =	stream.linear.gather [hbm4b:s10+s2], $0x80, $0x38;
	[tilespmem:$0x1BE00] =	vst v63  }
0x47: {  	_ =	swait.ge [sflag:s26], $0x4000  }
0x48: {  	[sflag:s26] =	ssyncset.done $0x0  }
0x49: {  	s11 =	sadd.s32 $0x0, s21;
	[sflag:s26] =	ssyncadd.s32 $0xFFFFC000  }
0x4a: {  	[tilespmem:s28], [sflag:$0x6] =	stream.linear.gather [hbm4b:s11+s2], $0x80, $0x38;
	[tilespmem:$0x1BE00] =	vst v63  }
0x4b: {  	_ =	swait.ge [sflag:s22], $0x80  }
0x4c: {  	[sflag:s22] =	ssyncset.done $0x0  }
0x4d: {  	[sflag:s22] =	ssyncadd.s32 $0xFFFFFF80  }
0x4e: {  	[spmem:s1] =	stream.indirect.scatter.add.f32 [tilespmem:s25], [sflag:$0x2], $0x80, s28, s24, $0xb8;
	[tilespmem:$0x1BE00] =	vst v63  }
0x4f: {  	_ =	swait.ge [sflag:s3], $0x4000  }
0x50: {  	[sflag:s3] =	ssyncset.done $0x0  }
0x51: {  	[sflag:s3] =	ssyncadd.s32 $0xFFFFC000  }
0x52: {  	_ =	swait.ge [sflag:s29], $0x80  }
0x53: {  	[sflag:s29] =	ssyncset.done $0x0  }
0x54: {  	[sflag:s29] =	ssyncadd.s32 $0xFFFFFF80  }
0x55: {  	[tilespmem:s30], [sflag:$0x1] =	stream.indirect.gather [hbm4b:s4+s24], $0x80, s24, s24, $0xb8;
	[tilespmem:$0x1BE00] =	vst v63  }
0x56: {  	s10 =	sadd.s32 $0x0, s19  }
0x57: {  	[tilespmem:s2], [sflag:$0x4] =	stream.linear.gather [hbm4b:s10+s2], $0x80, $0x38;
	[tilespmem:$0x1BE00] =	vst v63  }
0x58: {  	_ =	swait.ge [sflag:s26], $0x4000  }
0x59: {  	[sflag:s26] =	ssyncset.done $0x0  }
0x5a: {  	s11 =	sadd.s32 $0x0, s18;
	[sflag:s26] =	ssyncadd.s32 $0xFFFFC000  }
0x5b: {  	[tilespmem:s31], [sflag:$0x6] =	stream.linear.gather [hbm4b:s11+s2], $0x80, $0x38;
	[tilespmem:$0x1BE00] =	vst v63  }
0x5c: {  	_ =	swait.ge [sflag:s22], $0x80  }
0x5d: {  	[sflag:s22] =	ssyncset.done $0x0  }
0x5e: {  	s9 =	simm.s32 $0x20;
	[sflag:s22] =	ssyncadd.s32 $0xFFFFFF80  }
.LBB2_2:
0x5f: {  	[spmem:s1] =	stream.indirect.scatter.add.f32 [tilespmem:s30], [sflag:$0x3], $0x80, s31, s24, $0xb8;
	[tilespmem:$0x1BE00] =	vst v63  }
0x60: {  	s10 =	smov.u32 s9  }
0x61: {  	p0 =	sne.s32 s9, $0x4A0;
	s9 =	sadd.s32 $0x20, s9;
	_ =	swait.ge [sflag:s0], $0x4000  }
0x62: {  	[sflag:s0] =	ssyncset.done $0x0  }
0x63: {  	[sflag:s0] =	ssyncadd.s32 $0xFFFFC000  }
0x64: {  	_ =	swait.ge [sflag:s23], $0x80  }
0x65: {  	[sflag:s23] =	ssyncset.done $0x0  }
0x66: {  	[sflag:s23] =	ssyncadd.s32 $0xFFFFFF80  }
0x67: {  	[tilespmem:s25], [sflag:$0x1] =	stream.indirect.gather [hbm4b:s4+s24], $0x80, s2, s24, $0xb8;
	[tilespmem:$0x1BE00] =	vst v63  }
0x68: {  	s11 =	sadd.s32 s10, s20  }
0x69: {  	[tilespmem:s24], [sflag:$0x5] =	stream.linear.gather [hbm4b:s11+s2], $0x80, $0x38;
	[tilespmem:$0x1BE00] =	vst v63  }
0x6a: {  	_ =	swait.ge [sflag:s26], $0x4000  }
0x6b: {  	[sflag:s26] =	ssyncset.done $0x0  }
0x6c: {  	s11 =	sadd.s32 s10, s21;
	[sflag:s26] =	ssyncadd.s32 $0xFFFFC000  }
0x6d: {  	[tilespmem:s28], [sflag:$0x6] =	stream.linear.gather [hbm4b:s11+s2], $0x80, $0x38;
	[tilespmem:$0x1BE00] =	vst v63  }
0x6e: {  	_ =	swait.ge [sflag:s22], $0x80  }
0x6f: {  	[sflag:s22] =	ssyncset.done $0x0  }
0x70: {  	[sflag:s22] =	ssyncadd.s32 $0xFFFFFF80  }
0x71: {  	[spmem:s1] =	stream.indirect.scatter.add.f32 [tilespmem:s25], [sflag:$0x2], $0x80, s28, s24, $0xb8;
	[tilespmem:$0x1BE00] =	vst v63  }
0x72: {  	_ =	swait.ge [sflag:s3], $0x4000  }
0x73: {  	[sflag:s3] =	ssyncset.done $0x0  }
0x74: {  	[sflag:s3] =	ssyncadd.s32 $0xFFFFC000  }
0x75: {  	_ =	swait.ge [sflag:s29], $0x80  }
0x76: {  	[sflag:s29] =	ssyncset.done $0x0  }
0x77: {  	[sflag:s29] =	ssyncadd.s32 $0xFFFFFF80  }
0x78: {  	[tilespmem:s30], [sflag:$0x1] =	stream.indirect.gather [hbm4b:s4+s24], $0x80, s24, s24, $0xb8;
	[tilespmem:$0x1BE00] =	vst v63  }
0x79: {  	s11 =	sadd.s32 s10, s19  }
0x7a: {  	[tilespmem:s2], [sflag:$0x4] =	stream.linear.gather [hbm4b:s11+s2], $0x80, $0x38;
	[tilespmem:$0x1BE00] =	vst v63  }
0x7b: {  	_ =	swait.ge [sflag:s26], $0x4000  }
0x7c: {  	[sflag:s26] =	ssyncset.done $0x0  }
.Ltmp0:
0x7d: {  	s10 =	sadd.s32 s10, s18;
	[sflag:s26] =	ssyncadd.s32 $0xFFFFC000;
	(pc) =	sbr.rel @p0 .LBB2_2-.Ltmp0, $4  }
0x7e: {  	[tilespmem:s31], [sflag:$0x6] =	stream.linear.gather [hbm4b:s10+s2], $0x80, $0x38;
	[tilespmem:$0x1BE00] =	vst v63  }
0x7f: {  	_ =	swait.ge [sflag:s22], $0x80  }
0x80: {  	[sflag:s22] =	ssyncset.done $0x0  }
0x81: {  	[sflag:s22] =	ssyncadd.s32 $0xFFFFFF80  }
0x82: {  	[spmem:s1] =	stream.indirect.scatter.add.f32 [tilespmem:s30], [sflag:$0x3], $0x80, s31, s24, $0xb8;
	[tilespmem:$0x1BE00] =	vst v63  }
0x83: {  	_ =	swait.ge [sflag:s0], $0x4000  }
0x84: {  	[sflag:s0] =	ssyncset.done $0x0  }
0x85: {  	[sflag:s0] =	ssyncadd.s32 $0xFFFFC000  }
0x86: {  	_ =	swait.ge [sflag:s23], $0x80  }
0x87: {  	[sflag:s23] =	ssyncset.done $0x0  }
0x88: {  	[sflag:s23] =	ssyncadd.s32 $0xFFFFFF80  }
0x89: {  	[tilespmem:s25], [sflag:$0x1] =	stream.indirect.gather [hbm4b:s4+s24], $0x80, s2, s24, $0xb8;
	[tilespmem:$0x1BE00] =	vst v63  }
0x8a: {  	_ = 	snop  }
0x8b: {  	[tilespmem:s24], [sflag:$0x5] =	stream.linear.gather [hbm4b:s15+s2], $0x80, $0x38;
	[tilespmem:$0x1BE00] =	vst v63  }
0x8c: {  	_ =	swait.ge [sflag:s26], $0x4000  }
0x8d: {  	[sflag:s26] =	ssyncset.done $0x0  }
0x8e: {  	[sflag:s26] =	ssyncadd.s32 $0xFFFFC000  }
0x8f: {  	[tilespmem:s28], [sflag:$0x6] =	stream.linear.gather [hbm4b:s16+s2], $0x80, $0x38;
	[tilespmem:$0x1BE00] =	vst v63  }
0x90: {  	_ =	swait.ge [sflag:s22], $0x80  }
0x91: {  	[sflag:s22] =	ssyncset.done $0x0  }
0x92: {  	[sflag:s22] =	ssyncadd.s32 $0xFFFFFF80  }
0x93: {  	[spmem:s1] =	stream.indirect.scatter.add.f32 [tilespmem:s25], [sflag:$0x2], $0x80, s28, s24, $0xb8;
	[tilespmem:$0x1BE00] =	vst v63  }
0x94: {  	_ =	swait.ge [sflag:s3], $0x4000  }
0x95: {  	[sflag:s3] =	ssyncset.done $0x0  }
0x96: {  	[sflag:s3] =	ssyncadd.s32 $0xFFFFC000  }
0x97: {  	_ =	swait.ge [sflag:s29], $0x80  }
0x98: {  	[sflag:s29] =	ssyncset.done $0x0  }
0x99: {  	[sflag:s29] =	ssyncadd.s32 $0xFFFFFF80  }
0x9a: {  	[tilespmem:s30], [sflag:$0x1] =	stream.indirect.gather [hbm4b:s4+s24], $0x80, s24, s24, $0xb8;
	[tilespmem:$0x1BE00] =	vst v63  }
0x9b: {  	_ =	swait.ge [sflag:s26], $0x4000  }
0x9c: {  	[sflag:s26] =	ssyncset.done $0x0  }
0x9d: {  	[sflag:s26] =	ssyncadd.s32 $0xFFFFC000  }
0x9e: {  	[tilespmem:s31], [sflag:$0x6] =	stream.linear.gather [hbm4b:s17+s2], $0x80, $0x38;
	[tilespmem:$0x1BE00] =	vst v63  }
0x9f: {  	_ =	swait.ge [sflag:s22], $0x80  }
0xa0: {  	[sflag:s22] =	ssyncset.done $0x0  }
0xa1: {  	[sflag:s22] =	ssyncadd.s32 $0xFFFFFF80  }
0xa2: {  	[spmem:s1] =	stream.indirect.scatter.add.f32 [tilespmem:s30], [sflag:$0x3], $0x80, s31, s24, $0xb8;
	[tilespmem:$0x1BE00] =	vst v63  }
0xa3: {  	_ =	swait.ge [sflag:s0], $0x4000  }
0xa4: {  	[sflag:s0] =	ssyncset.done $0x0  }
0xa5: {  	[sflag:s0] =	ssyncadd.s32 $0xFFFFC000  }
0xa6: {  	_ =	swait.ge [sflag:s3], $0x4000  }
0xa7: {  	[sflag:s3] =	ssyncset.done $0x0  }
0xa8: {  	[sflag:s3] =	ssyncadd.s32 $0xFFFFC000  }
0xa9: {  	[bflag:$0x0] =	sbarrier.arrive $0xFFFF  }
0xaa: {  	s9 =	rddreg [dreg:$0x6]  }
0xab: {  	[hbm:s9], [sflag:s7] =	dma.local [spmem:s6], $0x2780  }
0xac: {  	_ =	swait.ge [sflag:s22], $0x2780  }
0xad: {  	s5 =	sadd.s32 $0x1, s5;
	s11 =	rddreg [dreg:$0x7]  }
0xae: {  	p0 =	sne.s32 s5, s11  }
.Ltmp1:
0xaf: {  	_ = 	snop;
	(pc) =	sbr.rel @p0 .LBB2_1-.Ltmp1, $3  }
0xb0: {  	_ =	sdelay $0x1  }
0xb1: {  	[sflag:s22] =	ssyncset.done $0x0  }
0xb2: {  	[sflag:s22] =	ssyncadd.s32 $0xFFFFD880  }
0xb3: {  	_ =	sfence.sel $0x180000  }
0xb4: {  	[bflag:$0x0] =	sbarrier.arrive $0xFFFF  }
0xb5: {  	_ =	strace $0x9000004A  }
0xb6: {  	s0 =	stileid.u32;
	[bflag:$0x2] =	sbarrier.arrive $0xFFFF  }
0xb7: {  	p0 =	sne.s32 s0, $0x0;
	s0 =	rddreg [dreg:$0x3]  }
0xb8: {  	s0 =	sadd.s32 @!p0 $0x100000, s0  }
0xb9: {  	[sflag:s0] =	ssyncadd.tile.s32 @!p0 $0x1;
	_ =	shalt  }
.Lfunc_end2:
_tile_overlayer_lowered:
.L_overlay_start_2:
0xba: {  	(tag) =	ssettag $0x2  }
0xbb: {  	s0 =	rddreg [dreg:$0x0];
	s2 =	stileid.u32  }
0xbc: {  	s1 =	rddreg [dreg:$0x1];
	p0 =	sne.s32 s2, $0x0  }
0xbd: {  	s3 =	rddreg [dreg:$0x2];
	[bflag:$0x3] =	sbarrier.arrive $0xFFFF;
	s2 =	simm.s32 @!p0 $0x1C06  }
0xbe: {  	[timem:s3], [sflag:s2] =	dma.local @!p0 [hbm:s0], s1  }
0xbf: {  	s0 =	simm.s32 @!p0 $0x6  }
0xc0: {  	_ =	swait.ge @!p0 [sflag:s0], s1  }
0xc1: {  	s1 =	ssub.s32 @!p0 $0x0, s1;
	[sflag:s0] =	ssyncset.done @!p0 $0x0  }
0xc2: {  	[sflag:s0] =	ssyncadd.s32 @!p0 s1  }
0xc3: {  	[bflag:$0x3] =	sbarrier.arrive $0xFFFF  }
0xc4: {  	_ =	shalt  }

// kernel: kernel.14.cloned.1.call-start
scs
__scs_entry_jumppad:
0x0: {  	(pc) =	sbr.rel $0x88, $3  }
0x1: {  	(tag) =	ssettag $0x0;
	lr =	simm.s32 $0x1  }
0x2: {  	[smem:$0x3F9B] =	sst lr;
	_ =	strace $0xD0000000  }
0x3: {  	_ = 	snop  }
0x4: {  	_ = 	snop  }
0x5: {  	_ = 	snop  }
0x6: {  	_ = 	snop  }
0x7: {  	_ = 	snop  }
__scs_overlays_trampoline_lowered:
0x8: {  	[smem:$0x3FAA] =	sst s0  }
0x9: {  	[smem:$0x3FAB] =	sst s1  }
0xa: {  	[smem:$0x3FAC] =	sst s2  }
0xb: {  	[smem:$0x3FAD] =	sst s3  }
0xc: {  	[smem:$0x3FAE] =	sst s4  }
0xd: {  	[smem:$0x3FAF] =	sst s5  }
0xe: {  	[smem:$0x3FB0] =	sst s6  }
0xf: {  	[smem:$0x3FB1] =	sst s7  }
0x10: {  	[smem:$0x3FB2] =	sst s8  }
0x11: {  	[smem:$0x3FB3] =	sst s9;
	s0 =	simm.s32 @!p0 $0x0  }
0x12: {  	s1 =	sld [smem:$0x3F99];
	s0 =	simm.s32 @p0 $0x1  }
0x13: {  	[smem:$0x3FB4] =	sst s0;
	s0 =	simm.s32 @!p1 $0x0  }
0x14: {  	s2 =	sld [smem:$0x3F98];
	s0 =	simm.s32 @p1 $0x1  }
0x15: {  	[smem:$0x3FB5] =	sst s0;
	s0 =	simm.s32 @!p2 $0x0  }
0x16: {  	s3 =	sld [smem:$0x3FDB];
	s0 =	simm.s32 @p2 $0x1  }
0x17: {  	s4 =	simm.s32 $0x1BF5;
	[smem:$0x3FB7] =	sst s0  }
0x18: {  	s0 =	sld [smem:$0x3F9A];
	_ =	swait.ge [sflag:s4], $0x0  }
0x19: {  	s7 =	sld [smem:$0x3F9B]  }
0x1a: {  	s8 =	sadd.s32 $0xFFFFE003, lr  }
0x1b: {  	s9 =	sadd.s32 $0xFFFFFEF7, lr;
	s5 =	simm.s32 $0xFFFFFFFF;
	p2 =	slt.u32 s8, $0xFFFFF086  }
0x1c: {  	p1 =	slt.u32 s9, $0xF7A;
	s5 =	simm.s32 @!p2 $0x0  }
0x1d: {  	s5 =	simm.s32 @p1 $0x1;
	p0 =	seq.s32 s7, s2  }
0x1e: {  	s7 =	smul.u32 @!p0 $0xF7A, s2;
	p2 =	seq.s32 @!p0 s5, $0x0  }
0x1f: {  	s9 =	smul.u32 $0xF7A, s1;
	s8 =	simm.s32 @!p0 $0x1BF5;
	p2 =	por !p2, p0  }
0x20: {  	[sflag:s8] =	ssyncset.s32 @!p0 $0xFFFFF086;
	s6 =	sadd.s32 @!p0 s3, s7;
	s7 =	simm.s32 @!p0 $0x108  }
0x21: {  	s3 =	sadd.s32 s3, s9;
	s6 =	sadd.s32 @!p0 $0x88, s6;
	s7 =	simm.s32 @p2 $0x1082  }
0x22: {  	[simem:s7], [sflag:s8] =	dma.local @!p0 [hbm:s6], $0xF7A  }
0x23: {  	s9 =	sor.u32 $0xD0000000, s2;
	s6 =	simm.s32 $0x108;
	_ =	swait.ge @!p0 [sflag:s8], $0x0  }
0x24: {  	s3 =	sadd.s32 $0x88, s3;
	s6 =	simm.s32 @!p1 $0x1082;
	[sflag:s4] =	ssyncset.s32 $0xFFFFF086  }
0x25: {  	[simem:s6], [sflag:s4] =	dma.local [hbm:s3], $0xF7A  }
0x26: {  	[smem:$0x3F9B] =	sst s1;
	(tag) =	ssettag s2;
	_ =	strace s9  }
0x27: {  	s1 =	sld [smem:$0x3FAB]  }
0x28: {  	s2 =	sld [smem:$0x3FAC]  }
0x29: {  	s4 =	sld [smem:$0x3FAE]  }
0x2a: {  	p0 =	seq.s32 s5, $0x0;
	s5 =	sld [smem:$0x3FAF]  }
0x2b: {  	s6 =	sld [smem:$0x3FB0]  }
0x2c: {  	s7 =	sld [smem:$0x3FB1]  }
0x2d: {  	s3 =	simm.s32 $0x108;
	s8 =	sld [smem:$0x3FB2]  }
0x2e: {  	s3 =	simm.s32 @!p0 $0x1082;
	s9 =	sld [smem:$0x3FB3]  }
0x2f: {  	lr =	sadd.s32 s0, s3;
	s0 =	sld [smem:$0x3FAA]  }
0x30: {  	s3 =	sld [smem:$0x3FAD]  }
0x31: {  	[smem:$0x3FB6] =	sst s10  }
0x32: {  	s10 =	sld [smem:$0x3FB4];
	_ =	sdelay $0x3  }
0x33: {  	p0 =	seq.s32 s10, $0x1;
	s10 =	sld [smem:$0x3FB6];
	_ =	sdelay $0x3  }
0x34: {  	[smem:$0x3FB6] =	sst s10  }
0x35: {  	s10 =	sld [smem:$0x3FB5];
	_ =	sdelay $0x3  }
0x36: {  	p1 =	seq.s32 s10, $0x1;
	s10 =	sld [smem:$0x3FB6];
	_ =	sdelay $0x3  }
0x37: {  	[smem:$0x3FB6] =	sst s10  }
0x38: {  	s10 =	sld [smem:$0x3FB7]  }
0x39: {  	_ = 	snop;
	(pc) =	sbr.ind lr, $3  }
0x3a: {  	_ = 	snop  }
0x3b: {  	_ = 	snop  }
0x3c: {  	p2 =	seq.s32 s10, $0x1;
	s10 =	sld [smem:$0x3FB6]  }
0x3d: {  	_ =	shalt  }
0x3e: {  	_ =	shalt  }
0x3f: {  	_ =	shalt  }
0x40: {  	_ =	shalt  }
0x41: {  	_ =	shalt  }
0x42: {  	_ =	shalt  }
0x43: {  	_ =	shalt  }
0x44: {  	_ =	shalt  }
0x45: {  	_ =	shalt  }
0x46: {  	_ =	shalt  }
0x47: {  	_ =	shalt  }
0x48: {  	_ =	shalt  }
0x49: {  	_ =	shalt  }
0x4a: {  	_ =	shalt  }
0x4b: {  	_ =	shalt  }
0x4c: {  	_ =	shalt  }
0x4d: {  	_ =	shalt  }
0x4e: {  	_ =	shalt  }
0x4f: {  	_ =	shalt  }
0x50: {  	_ =	shalt  }
0x51: {  	_ =	shalt  }
0x52: {  	_ =	shalt  }
0x53: {  	_ =	shalt  }
0x54: {  	_ =	shalt  }
0x55: {  	_ =	shalt  }
0x56: {  	_ =	shalt  }
0x57: {  	_ =	shalt  }
0x58: {  	_ =	shalt  }
0x59: {  	_ =	shalt  }
0x5a: {  	_ =	shalt  }
0x5b: {  	_ =	shalt  }
0x5c: {  	_ =	shalt  }
0x5d: {  	_ =	shalt  }
0x5e: {  	_ =	shalt  }
0x5f: {  	_ =	shalt  }
0x60: {  	_ =	shalt  }
0x61: {  	_ =	shalt  }
0x62: {  	_ =	shalt  }
0x63: {  	_ =	shalt  }
0x64: {  	_ =	shalt  }
0x65: {  	_ =	shalt  }
0x66: {  	_ =	shalt  }
0x67: {  	_ =	shalt  }
0x68: {  	_ =	shalt  }
0x69: {  	_ =	shalt  }
0x6a: {  	_ =	shalt  }
0x6b: {  	_ =	shalt  }
0x6c: {  	_ =	shalt  }
0x6d: {  	_ =	shalt  }
0x6e: {  	_ =	shalt  }
0x6f: {  	_ =	shalt  }
0x70: {  	_ =	shalt  }
0x71: {  	_ =	shalt  }
0x72: {  	_ =	shalt  }
0x73: {  	_ =	shalt  }
0x74: {  	_ =	shalt  }
0x75: {  	_ =	shalt  }
0x76: {  	_ =	shalt  }
0x77: {  	_ =	shalt  }
0x78: {  	_ =	shalt  }
0x79: {  	_ =	shalt  }
0x7a: {  	_ =	shalt  }
0x7b: {  	_ =	shalt  }
0x7c: {  	_ =	shalt  }
0x7d: {  	_ =	shalt  }
0x7e: {  	_ =	shalt  }
0x7f: {  	_ =	shalt  }
0x80: {  	_ =	shalt  }
0x81: {  	_ =	shalt  }
0x82: {  	_ =	shalt  }
0x83: {  	_ =	shalt  }
0x84: {  	_ =	shalt  }
0x85: {  	_ =	shalt  }
0x86: {  	_ =	shalt  }
0x87: {  	_ =	shalt  }
.Lfunc_end0:
.L_simem_size_0:
called_computation.2_lowered:
.L_overlay_start_0:
0x88: {  	s2 =	sld [smem:$0x3FD9]  }
0x89: {  	s3 =	sld [smem:$0x3FFE];
	_ =	sdelay $0x1  }
0x8a: {  	s1 =	srdreg.scid  }
0x8b: {  	s0 =	sand.u32 $0x1, s1  }
0x8c: {  	s17 =	sshll.u32 s0, $0xA;
	s2 =	sadd.s32 s3, s2  }
0x8d: {  	s2 =	sadd.s32 s2, s17  }
0x8e: {  	[smem:$0x3FC2] =	sst s2  }
0x8f: {  	_ = 	snop  }
0x90: {  	s2 =	sld [smem:$0x3FD0];
	(tm) =	ssettm $0x1  }
0x91: {  	s18 =	sld [smem:$0x3FFB];
	_ =	sdelay $0x3  }
0x92: {  	_ =	strace s18  }
0x93: {  	s3 =	sld [smem:$0x3FFC];
	_ =	sdelay $0x3  }
0x94: {  	_ =	strace s3  }
0x95: {  	s3 =	sld [smem:$0x3FFD];
	_ =	sdelay $0x3  }
0x96: {  	_ =	strace s3  }
0x97: {  	_ =	strace $0x8FFFFFFF  }
0x98: {  	s19 =	sld [smem:$0x3FDB];
	_ =	sdelay $0x1  }
0x99: {  	s4 =	simm.s32 $_scs_section_size  }
0x9a: {  	s5 =	simm.s32 $_size__tile_overlayer_lowered;
	s6 =	simm.s32 $_tile_overlayer_lowered  }
0x9b: {  	s22 =	simm.s32 $0x1BFF;
	s21 =	sshll.u32 s6, $0x1;
	s3 =	sadd.s32 s4, s19  }
0x9c: {  	s7 =	simm.s32 $0x0;
	s20 =	sshll.u32 s5, $0x1;
	s5 =	sadd.s32 s21, s3  }
0x9d: {  	[timem:s7], [sflag:s22] =	dma.local [hbm:s5], s20  }
0x9e: {  	_ =	swait.ge [sflag:s22], s20  }
0x9f: {  	s4 =	ssub.s32 $0x0, s20;
	[sflag:s22] =	ssyncset.done $0x0  }
0xa0: {  	[sflag:s22] =	ssyncadd.s32 s4;
	_ =	sdelay $0x1  }
0xa1: {  	s23 =	simm.s32 $0x1B8B  }
0xa2: {  	_ =	swait.ge [sflag:s23], $0x1  }
0xa3: {  	[sflag:s23] =	ssyncset.done $0x0  }
0xa4: {  	s25 =	simm.s32 $0x1B8E;
	s24 =	sld [smem:$0x3FFE];
	[sflag:s23] =	ssyncadd.s32 $0xFFFFFFFF  }
0xa5: {  	s26 =	simm.s32 $execute0_lowered;
	[smem:$0x3FD2] =	sst s25  }
0xa6: {  	s5 =	sshll.u32 s26, $0x1;
	_ =	strace $0x8000004C;
	[dreg:$0x1] =	wrdreg $0xFFFFFFFF  }
0xa7: {  	s28 =	simm.s32 $_size_execute0_lowered;
	s3 =	sadd.s32 s3, s5;
	[dreg:$0x0] =	wrdreg $0x0  }
0xa8: {  	s5 =	sshll.u32 s28, $0x1;
	[dreg:$0x2] =	wrdreg s3  }
0xa9: {  	[dreg:$0x3] =	wrdreg s5  }
0xaa: {  	[dreg:$0x4] =	wrdreg $0xC0  }
0xab: {  	_ =	task [dreg:s7], $0x5FFFF  }
0xac: {  	[dreg:$0x1] =	wrdreg $0xFFFFFFFF  }
0xad: {  	[dreg:$0x0] =	wrdreg $0x60  }
0xae: {  	[dreg:$0x2] =	wrdreg s24  }
0xaf: {  	[dreg:$0x3] =	wrdreg s2  }
0xb0: {  	[dreg:$0x4] =	wrdreg $0x83000  }
0xb1: {  	[dreg:$0x5] =	wrdreg $0x9  }
0xb2: {  	_ =	task.clear_ibuf [dreg:s7], $0x6FFFF;
	_ =	strace $0x9000004C  }
0xb3: {  	s29 =	simm.s32 $0x9;
	_ =	strace $0x8000004E  }
0xb4: {  	_ =	swait.ge [sflag:s29], $0x1  }
0xb5: {  	[sflag:s29] =	ssyncadd.s32 $0xFFFFFFFF  }
0xb6: {  	_ =	strace $0x9000004E  }
0xb7: {  	_ =	sfence  }
0xb8: {  	s30 =	sld [smem:$0x0];
	_ =	sdelay $0x2  }
0xb9: {  	s31 =	sshll.u32 s1, $0xD;
	s1 =	sshrl.u32 s1, $0x2  }
0xba: {  	s3 =	sand.u32 $0x4000, s31;
	s1 =	sadd.s32 s1, s30  }
0xbb: {  	s0 =	sor.u32 s3, s0;
	s1 =	sshll.u32 s1, $0x11  }
0xbc: {  	s0 =	sor.u32 s1, s0  }
0xbd: {  	s0 =	sadd.s32 $0x8F2B, s0  }
0xbe: {  	[sflag:s0] =	ssyncadd.remote.s32 $0x1  }
0xbf: {  	_ =	sfence.sel $0xFFFF  }
0xc0: {  	[dreg:$0x0] =	wrdreg $0xFFFFFFFF;
	(pc) =	sbr.abs _section_cstart, $3  }
0xc1: {  	[dreg:$0x1] =	wrdreg $0xFFFFFFFF  }
0xc2: {  	_ =	task.clear_ibuf [dreg:s7], $0x2FFFF;
	_ =	strace $0x9FFFFFFF  }
0xc3: {  	(tm) =	ssettm $0x7FFFFFFF  }
tec
execute0_lowered:
.L_overlay_start_1:
0x0: {  	(tag) =	ssettag $0x1  }
0x1: {  	s5 =	rddreg [dreg:$0x0]  }
0x2: {  	s6 =	rddreg [dreg:$0x1]  }
0x3: {  	s2 =	rddreg [dreg:$0x2]  }
0x4: {  	s1 =	stileid.u32;
	s4 =	srdreg.scid  }
0x5: {  	s3 =	simm.s32 $0x0;
	s17 =	simm.s32 $0x300;
	s18 =	simm.s32 $0x1  }
0x6: {  	s19 =	simm.s32 $0x200;
	s20 =	simm.s32 $0x5;
	s11 =	smul.u32 $0xA00, s1  }
0x7: {  	s21 =	simm.s32 $0x180;
	s22 =	simm.s32 $0x4300;
	s8 =	smul.u32 $0x278, s1  }
0x8: {  	s23 =	simm.s32 $0x280;
	s25 =	simm.s32 $0x3;
	s9 =	smul.u32 $0x4F000, s1  }
0x9: {  	s26 =	simm.s32 $0x0;
	s7 =	sand.u32 $0x1, s4;
	s13 =	smul.u32 $0x2780, s1  }
0xa: {  	[smem:$0x7FF] =	sst s3;
	s12 =	sadd.s32 $0xC400, s5;
	s15 =	smul.u32 $0x5000, s1  }
0xb: {  	s4 =	sadd.s32 $0x79C00, s5;
	s30 =	sshll.u32 s1, $0x6;
	s24 =	smul.u32 $0x2780, s7  }
0xc: {  	_ =	strace $0x8000004D;
	s7 =	ssub.s32 $0x2, s7;
	s10 =	sadd.s32 s11, s5  }
0xd: {  	s14 =	sshrl.u32 s7, $0x1;
	s9 =	sshrl.u32 s9, $0x2;
	s31 =	sshrl.u32 s15, $0x3  }
0xe: {  	s11 =	sadd.s32 s11, s12;
	s15 =	simm.s32 $0x80;
	s8 =	sadd.s32 s8, s24  }
0xf: {  	s14 =	ssub.s32 s7, s14;
	s16 =	sadd.s32 s9, s2;
	s7 =	sadd.s32 s12, s31  }
0x10: {  	s10 =	sadd.s32 $0x2400, s10;
	v0 =	vmov s24;
	s24 =	simm.s32 $0x2;
	s8 =	sshll.u32 s8, $0x4  }
0x11: {  	s9 =	smax.u32 s14, $0x1;
	s12 =	sshrl.u32 s16, $0x3;
	s14 =	simm.s32 $0x4  }
0x12: {  	s16 =	simm.s32 $0x100;
	s8 =	sadd.s32 s8, s5;
	s5 =	sadd.s32 s6, s13  }
0x13: {  	s6 =	sor.u32 $0x1C06, s30;
	s13 =	simm.s32 $0x6;
	s8 =	sadd.s32 $0xC8C00, s8  }
.LBB2_1:
0x14: {  	[spmem:s12], [sflag:s6] =	dma.local [hbm:s5], $0x2780  }
0x15: {  	_ =	swait.ge [sflag:s13], $0x2780  }
0x16: {  	[sflag:s13] =	ssyncset.done $0x0  }
0x17: {  	p1 =	por $0x1, $0x1;
	[sflag:s13] =	ssyncadd.s32 $0xFFFFD880  }
0x18: {  	s28 =	simm.s32 @!p1 $0x2;
	[bflag:$0x0] =	sbarrier.arrive $0xFFFF  }
0x19: {  	[tilespmem:s3], [sflag:$0x4] =	stream.linear.gather [hbm4b:s7+s3], $0x80, $0x38;
	[tilespmem:$0x1BF00] =	vst v63  }
0x1a: {  	_ =	swait.ge @!p1 [sflag:s28], $0x4000  }
0x1b: {  	[sflag:s28] =	ssyncset.done @!p1 $0x0  }
0x1c: {  	[sflag:s28] =	ssyncadd.s32 @!p1 $0xFFFFC000  }
0x1d: {  	_ =	swait.ge [sflag:s14], $0x80  }
0x1e: {  	[sflag:s14] =	ssyncset.done $0x0  }
0x1f: {  	[sflag:s14] =	ssyncadd.s32 $0xFFFFFF80  }
0x20: {  	v3 =	vld [tilespmem:$0x40]  }
0x21: {  	v5 =	vld [tilespmem:$0x50]  }
0x22: {  	v6 =	vld [tilespmem:$0x60]  }
0x23: {  	v1 =	vld [tilespmem:$0x30]  }
0x24: {  	v4 =	vld [tilespmem:$0x0]  }
0x25: {  	v2 =	vld [tilespmem:$0x20];
	v7 =	vadd.s32 v0, v3  }
0x26: {  	v3 =	vld [tilespmem:$0x10];
	v5 =	vadd.s32 v0, v5;
	[tilespmem:$0x140] =	vst v7  }
0x27: {  	s29 =	simm.s32 $0x20;
	s28 =	simm.s32 $0x0;
	v6 =	vadd.s32 v0, v6;
	[tilespmem:$0x150] =	vst v5;
	v5 =	vld [tilespmem:$0x70]  }
.LBB2_2:
0x28: {  	s30 =	smov.u32 s29;
	s29 =	sadd.s32 $0x20, s29  }
0x29: {  	p0 =	sne.s32 s29, $0xA00;
	v4 =	vadd.s32 v0, v4;
	[tilespmem:$0x160] =	vst v6  }
0x2a: {  	[tilespmem:$0x100] =	vst v4;
	v2 =	vadd.s32 v0, v2  }
0x2b: {  	v1 =	vadd.s32 v0, v1;
	v3 =	vadd.s32 v0, v3;
	[tilespmem:$0x120] =	vst v2  }
0x2c: {  	[tilespmem:$0x110] =	vst v3;
	v2 =	vadd.s32 v0, v5  }
0x2d: {  	[tilespmem:$0x170] =	vst v2  }
0x2e: {  	s31 =	sadd.s32 s28, s11;
	[tilespmem:$0x130] =	vst v1  }
0x2f: {  	[tilespmem:s17], [sflag:$0x1] =	stream.indirect.gather [hbm4b:s4+s15], $0x80, s16, s15, $0xb8;
	[tilespmem:$0x1BF00] =	vst v63  }
0x30: {  	s31 =	sadd.s32 $0x10, s31  }
0x31: {  	[tilespmem:s15], [sflag:$0x5] =	stream.linear.gather [hbm4b:s31+s3], $0x80, $0x38;
	[tilespmem:$0x1BF00] =	vst v63  }
0x32: {  	_ =	swait.ge [sflag:s18], $0x4000  }
0x33: {  	[sflag:s18] =	ssyncset.done $0x0  }
0x34: {  	s31 =	sadd.s32 s28, s10;
	[sflag:s18] =	ssyncadd.s32 $0xFFFFC000  }
0x35: {  	[tilespmem:s19], [sflag:$0x6] =	stream.linear.gather [hbm4b:s31+s3], $0x80, $0x38;
	[tilespmem:$0x1BF00] =	vst v63  }
0x36: {  	_ =	swait.ge [sflag:s13], $0x80  }
0x37: {  	[sflag:s13] =	ssyncset.done $0x0  }
0x38: {  	s0 =	simm.s32 @!p1 $0x3;
	[sflag:s13] =	ssyncadd.s32 $0xFFFFFF80  }
0x39: {  	[spmem:s2] =	stream.indirect.scatter.add.f32 [tilespmem:s17], [sflag:$0x2], $0x80, s19, s15, $0xb8;
	[tilespmem:$0x1BF00] =	vst v63  }
0x3a: {  	_ =	swait.ge @!p1 [sflag:s0], $0x4000  }
0x3b: {  	[sflag:s0] =	ssyncset.done @!p1 $0x0  }
0x3c: {  	[sflag:s0] =	ssyncadd.s32 @!p1 $0xFFFFC000  }
0x3d: {  	_ =	swait.ge [sflag:s20], $0x80  }
0x3e: {  	[sflag:s20] =	ssyncset.done $0x0  }
0x3f: {  	[sflag:s20] =	ssyncadd.s32 $0xFFFFFF80  }
0x40: {  	v1 =	vld [tilespmem:$0x80]  }
0x41: {  	v2 =	vld [tilespmem:$0x90]  }
0x42: {  	v3 =	vld [tilespmem:$0xA0]  }
0x43: {  	v4 =	vld [tilespmem:$0xB0]  }
0x44: {  	v5 =	vld [tilespmem:$0xC0]  }
0x45: {  	v1 =	vadd.s32 v0, v1;
	v6 =	vld [tilespmem:$0xD0]  }
0x46: {  	[tilespmem:$0x180] =	vst v1;
	v1 =	vadd.s32 v0, v2;
	v2 =	vld [tilespmem:$0xF0]  }
0x47: {  	[tilespmem:$0x190] =	vst v1;
	v1 =	vadd.s32 v0, v3;
	v3 =	vld [tilespmem:$0xE0]  }
0x48: {  	[tilespmem:$0x1A0] =	vst v1;
	v1 =	vadd.s32 v0, v4  }
0x49: {  	[tilespmem:$0x1B0] =	vst v1;
	v1 =	vadd.s32 v0, v5  }
0x4a: {  	[tilespmem:$0x1C0] =	vst v1;
	v1 =	vadd.s32 v0, v6  }
0x4b: {  	[tilespmem:$0x1D0] =	vst v1;
	v1 =	vadd.s32 v0, v2  }
0x4c: {  	v2 =	vadd.s32 v0, v3;
	[tilespmem:$0x1F0] =	vst v1  }
0x4d: {  	p1 =	seq.s32 s28, $0x9E0;
	[tilespmem:$0x1E0] =	vst v2  }
0x4e: {  	[tilespmem:s22], [sflag:$0x1] =	stream.indirect.gather [hbm4b:s4+s15], $0x80, s21, s15, $0xb8;
	[tilespmem:$0x1BF00] =	vst v63  }
0x4f: {  	s0 =	sadd.s32 @!p1 s28, s11;
	s28 =	smov.u32 s30  }
0x50: {  	s30 =	simm.s32 @!p1 $0x0;
	s0 =	sadd.s32 @!p1 $0x20, s0  }
0x51: {  	[tilespmem:s30], [sflag:$0x4] =	stream.linear.gather @!p1 [hbm4b:s0+s30], $0x80, $0x38;
	[tilespmem:$0x1BF00] =	vst v63  }
0x52: {  	_ =	swait.ge [sflag:s18], $0x4000  }
0x53: {  	s0 =	sadd.s32 $0x10, s31;
	[sflag:s18] =	ssyncset.done $0x0  }
0x54: {  	[sflag:s18] =	ssyncadd.s32 $0xFFFFC000  }
0x55: {  	[tilespmem:s23], [sflag:$0x6] =	stream.linear.gather [hbm4b:s0+s3], $0x80, $0x38;
	[tilespmem:$0x1BF00] =	vst v63  }
0x56: {  	_ =	swait.ge [sflag:s13], $0x80  }
0x57: {  	p1 =	seq.s32 s28, $0x0;
	[sflag:s13] =	ssyncset.done $0x0  }
0x58: {  	s0 =	simm.s32 @!p1 $0x2;
	[sflag:s13] =	ssyncadd.s32 $0xFFFFFF80  }
0x59: {  	[spmem:s2] =	stream.indirect.scatter.add.f32 [tilespmem:s22], [sflag:$0x3], $0x80, s23, s15, $0xb8;
	[tilespmem:$0x1BF00] =	vst v63  }
0x5a: {  	_ =	swait.ge @!p1 [sflag:s0], $0x4000  }
0x5b: {  	[sflag:s0] =	ssyncset.done @!p1 $0x0  }
0x5c: {  	[sflag:s0] =	ssyncadd.s32 @!p1 $0xFFFFC000  }
0x5d: {  	_ =	swait.ge [sflag:s14], $0x80  }
0x5e: {  	[sflag:s14] =	ssyncset.done $0x0  }
0x5f: {  	[sflag:s14] =	ssyncadd.s32 $0xFFFFFF80  }
0x60: {  	v3 =	vld [tilespmem:$0x40]  }
0x61: {  	v5 =	vld [tilespmem:$0x50]  }
0x62: {  	v6 =	vld [tilespmem:$0x60]  }
.Ltmp0:
0x63: {  	v1 =	vld [tilespmem:$0x30];
	(pc) =	sbr.rel @p0 .LBB2_2-.Ltmp0, $4  }
0x64: {  	v4 =	vld [tilespmem:$0x0]  }
0x65: {  	v2 =	vld [tilespmem:$0x20];
	v7 =	vadd.s32 v0, v3  }
0x66: {  	v3 =	vld [tilespmem:$0x10];
	[tilespmem:$0x140] =	vst v7;
	v5 =	vadd.s32 v0, v5  }
0x67: {  	[tilespmem:$0x150] =	vst v5;
	v6 =	vadd.s32 v0, v6;
	v5 =	vld [tilespmem:$0x70]  }
0x68: {  	[tilespmem:$0x160] =	vst v6;
	v1 =	vadd.s32 v0, v1  }
0x69: {  	v4 =	vadd.s32 v0, v4;
	[tilespmem:$0x130] =	vst v1  }
0x6a: {  	[tilespmem:$0x100] =	vst v4;
	v2 =	vadd.s32 v0, v2  }
0x6b: {  	v3 =	vadd.s32 v0, v3;
	[tilespmem:$0x120] =	vst v2  }
0x6c: {  	[tilespmem:$0x110] =	vst v3;
	v2 =	vadd.s32 v0, v5  }
0x6d: {  	s0 =	sadd.s32 s28, s11;
	[tilespmem:$0x170] =	vst v2  }
0x6e: {  	[tilespmem:s17], [sflag:$0x1] =	stream.indirect.gather [hbm4b:s4+s15], $0x80, s16, s15, $0xb8;
	[tilespmem:$0x1BF00] =	vst v63  }
0x6f: {  	s0 =	sadd.s32 $0x10, s0  }
0x70: {  	[tilespmem:s15], [sflag:$0x5] =	stream.linear.gather [hbm4b:s0+s3], $0x80, $0x38;
	[tilespmem:$0x1BF00] =	vst v63  }
0x71: {  	_ =	swait.ge [sflag:s18], $0x4000  }
0x72: {  	[sflag:s18] =	ssyncset.done $0x0  }
0x73: {  	s31 =	sadd.s32 s28, s10;
	[sflag:s18] =	ssyncadd.s32 $0xFFFFC000  }
0x74: {  	[tilespmem:s19], [sflag:$0x6] =	stream.linear.gather [hbm4b:s31+s3], $0x80, $0x38;
	[tilespmem:$0x1BF00] =	vst v63  }
0x75: {  	_ =	swait.ge [sflag:s13], $0x80  }
0x76: {  	[sflag:s13] =	ssyncset.done $0x0  }
0x77: {  	s29 =	simm.s32 @!p1 $0x3;
	[sflag:s13] =	ssyncadd.s32 $0xFFFFFF80  }
0x78: {  	[spmem:s2] =	stream.indirect.scatter.add.f32 [tilespmem:s17], [sflag:$0x2], $0x80, s19, s15, $0xb8;
	[tilespmem:$0x1BF00] =	vst v63  }
0x79: {  	_ =	swait.ge @!p1 [sflag:s29], $0x4000  }
0x7a: {  	[sflag:s29] =	ssyncset.done @!p1 $0x0  }
0x7b: {  	[sflag:s29] =	ssyncadd.s32 @!p1 $0xFFFFC000  }
0x7c: {  	_ =	swait.ge [sflag:s20], $0x80  }
0x7d: {  	[sflag:s20] =	ssyncset.done $0x0  }
0x7e: {  	[sflag:s20] =	ssyncadd.s32 $0xFFFFFF80  }
0x7f: {  	v1 =	vld [tilespmem:$0x80]  }
0x80: {  	v2 =	vld [tilespmem:$0x90]  }
0x81: {  	v3 =	vld [tilespmem:$0xA0]  }
0x82: {  	v61 =	vld [tilespmem:$0xB0]  }
0x83: {  	v62 =	vld [tilespmem:$0xC0]  }
0x84: {  	v63 =	vld [tilespmem:$0xD0];
	v1 =	vadd.s32 v0, v1  }
0x85: {  	[tilespmem:$0x180] =	vst v1;
	v1 =	vadd.s32 v0, v2;
	v2 =	vld [tilespmem:$0xF0]  }
0x86: {  	[tilespmem:$0x190] =	vst v1;
	v1 =	vadd.s32 v0, v3;
	v3 =	vld [tilespmem:$0xE0]  }
0x87: {  	[tilespmem:$0x1A0] =	vst v1;
	v1 =	vadd.s32 v0, v61  }
0x88: {  	[tilespmem:$0x1B0] =	vst v1;
	v1 =	vadd.s32 v0, v62  }
0x89: {  	[tilespmem:$0x1C0] =	vst v1;
	v1 =	vadd.s32 v0, v63  }
0x8a: {  	[tilespmem:$0x1D0] =	vst v1;
	v1 =	vadd.s32 v0, v2  }
0x8b: {  	p0 =	seq.s32 s28, $0x9E0;
	v2 =	vadd.s32 v0, v3;
	[tilespmem:$0x1F0] =	vst v1  }
0x8c: {  	s28 =	sadd.s32 @!p0 s28, s11;
	[tilespmem:$0x1E0] =	vst v2  }
0x8d: {  	[tilespmem:s22], [sflag:$0x1] =	stream.indirect.gather [hbm4b:s4+s15], $0x80, s21, s15, $0xb8;
	[tilespmem:$0x1BF00] =	vst v63  }
0x8e: {  	s28 =	sadd.s32 @!p0 $0x20, s28;
	s29 =	simm.s32 @!p0 $0x0  }
0x8f: {  	[tilespmem:s29], [sflag:$0x4] =	stream.linear.gather @!p0 [hbm4b:s28+s29], $0x80, $0x38;
	[tilespmem:$0x1BF00] =	vst v63  }
0x90: {  	_ =	swait.ge [sflag:s18], $0x4000  }
0x91: {  	[sflag:s18] =	ssyncset.done $0x0  }
0x92: {  	s0 =	sadd.s32 $0x10, s31;
	[sflag:s18] =	ssyncadd.s32 $0xFFFFC000  }
0x93: {  	[tilespmem:s23], [sflag:$0x6] =	stream.linear.gather [hbm4b:s0+s3], $0x80, $0x38;
	[tilespmem:$0x1BF00] =	vst v63  }
0x94: {  	_ =	swait.ge [sflag:s13], $0x80  }
0x95: {  	[sflag:s13] =	ssyncset.done $0x0  }
0x96: {  	[sflag:s13] =	ssyncadd.s32 $0xFFFFFF80  }
0x97: {  	[spmem:s2] =	stream.indirect.scatter.add.f32 [tilespmem:s22], [sflag:$0x3], $0x80, s23, s15, $0xb8;
	[tilespmem:$0x1BF00] =	vst v63  }
0x98: {  	_ =	swait.ge [sflag:s24], $0x4000  }
0x99: {  	[sflag:s24] =	ssyncset.done $0x0  }
0x9a: {  	[sflag:s24] =	ssyncadd.s32 $0xFFFFC000  }
0x9b: {  	_ =	swait.ge [sflag:s25], $0x4000  }
0x9c: {  	s26 =	sadd.s32 $0x1, s26;
	[sflag:s25] =	ssyncset.done $0x0  }
0x9d: {  	p0 =	sne.s32 s26, s9;
	[sflag:s25] =	ssyncadd.s32 $0xFFFFC000  }
.Ltmp1:
0x9e: {  	[bflag:$0x0] =	sbarrier.arrive $0xFFFF;
	(pc) =	sbr.rel @p0 .LBB2_1-.Ltmp1, $4  }
0x9f: {  	[hbm:s8], [sflag:s6] =	dma.local [spmem:s12], $0x2780  }
0xa0: {  	_ =	swait.ge [sflag:s13], $0x2780  }
0xa1: {  	[sflag:s13] =	ssyncset.done $0x0  }
0xa2: {  	[sflag:s13] =	ssyncadd.s32 $0xFFFFD880  }
0xa3: {  	_ =	sfence.sel $0x180000  }
0xa4: {  	[bflag:$0x0] =	sbarrier.arrive $0xFFFF  }
0xa5: {  	_ =	strace $0x9000004D  }
0xa6: {  	[bflag:$0x2] =	sbarrier.arrive $0xFFFF  }
0xa7: {  	p0 =	sne.s32 s1, $0x0;
	s0 =	rddreg [dreg:$0x3]  }
0xa8: {  	s0 =	sadd.s32 @!p0 $0x100000, s0  }
0xa9: {  	[sflag:s0] =	ssyncadd.tile.s32 @!p0 $0x1;
	_ =	shalt  }
.Lfunc_end2:
_tile_overlayer_lowered:
.L_overlay_start_2:
0xaa: {  	(tag) =	ssettag $0x2  }
0xab: {  	s0 =	rddreg [dreg:$0x0];
	s2 =	stileid.u32  }
0xac: {  	s1 =	rddreg [dreg:$0x1];
	p0 =	sne.s32 s2, $0x0  }
0xad: {  	s3 =	rddreg [dreg:$0x2];
	[bflag:$0x3] =	sbarrier.arrive $0xFFFF;
	s2 =	simm.s32 @!p0 $0x1C06  }
0xae: {  	[timem:s3], [sflag:s2] =	dma.local @!p0 [hbm:s0], s1  }
0xaf: {  	s0 =	simm.s32 @!p0 $0x6  }
0xb0: {  	_ =	swait.ge @!p0 [sflag:s0], s1  }
0xb1: {  	s1 =	ssub.s32 @!p0 $0x0, s1;
	[sflag:s0] =	ssyncset.done @!p0 $0x0  }
0xb2: {  	[sflag:s0] =	ssyncadd.s32 @!p0 s1  }
0xb3: {  	[bflag:$0x3] =	sbarrier.arrive $0xFFFF  }
0xb4: {  	_ =	shalt  }

// kernel: kernel.8.cloned.1.call-start
scs
__scs_entry_jumppad:
0x0: {  	(pc) =	sbr.rel $0x88, $3  }
0x1: {  	(tag) =	ssettag $0x0;
	lr =	simm.s32 $0x1  }
0x2: {  	[smem:$0x3F9B] =	sst lr;
	_ =	strace $0xD0000000  }
0x3: {  	_ = 	snop  }
0x4: {  	_ = 	snop  }
0x5: {  	_ = 	snop  }
0x6: {  	_ = 	snop  }
0x7: {  	_ = 	snop  }
__scs_overlays_trampoline_lowered:
0x8: {  	[smem:$0x3FAA] =	sst s0  }
0x9: {  	[smem:$0x3FAB] =	sst s1  }
0xa: {  	[smem:$0x3FAC] =	sst s2  }
0xb: {  	[smem:$0x3FAD] =	sst s3  }
0xc: {  	[smem:$0x3FAE] =	sst s4  }
0xd: {  	[smem:$0x3FAF] =	sst s5  }
0xe: {  	[smem:$0x3FB0] =	sst s6  }
0xf: {  	[smem:$0x3FB1] =	sst s7  }
0x10: {  	[smem:$0x3FB2] =	sst s8  }
0x11: {  	[smem:$0x3FB3] =	sst s9;
	s0 =	simm.s32 @!p0 $0x0  }
0x12: {  	s1 =	sld [smem:$0x3F99];
	s0 =	simm.s32 @p0 $0x1  }
0x13: {  	[smem:$0x3FB4] =	sst s0;
	s0 =	simm.s32 @!p1 $0x0  }
0x14: {  	s2 =	sld [smem:$0x3F98];
	s0 =	simm.s32 @p1 $0x1  }
0x15: {  	[smem:$0x3FB5] =	sst s0;
	s0 =	simm.s32 @!p2 $0x0  }
0x16: {  	s3 =	sld [smem:$0x3FDB];
	s0 =	simm.s32 @p2 $0x1  }
0x17: {  	s4 =	simm.s32 $0x1BF5;
	[smem:$0x3FB7] =	sst s0  }
0x18: {  	s0 =	sld [smem:$0x3F9A];
	_ =	swait.ge [sflag:s4], $0x0  }
0x19: {  	s7 =	sld [smem:$0x3F9B]  }
0x1a: {  	s8 =	sadd.s32 $0xFFFFE003, lr  }
0x1b: {  	s9 =	sadd.s32 $0xFFFFFEF7, lr;
	s5 =	simm.s32 $0xFFFFFFFF;
	p2 =	slt.u32 s8, $0xFFFFF086  }
0x1c: {  	p1 =	slt.u32 s9, $0xF7A;
	s5 =	simm.s32 @!p2 $0x0  }
0x1d: {  	s5 =	simm.s32 @p1 $0x1;
	p0 =	seq.s32 s7, s2  }
0x1e: {  	s7 =	smul.u32 @!p0 $0xF7A, s2;
	p2 =	seq.s32 @!p0 s5, $0x0  }
0x1f: {  	s9 =	smul.u32 $0xF7A, s1;
	s8 =	simm.s32 @!p0 $0x1BF5;
	p2 =	por !p2, p0  }
0x20: {  	[sflag:s8] =	ssyncset.s32 @!p0 $0xFFFFF086;
	s6 =	sadd.s32 @!p0 s3, s7;
	s7 =	simm.s32 @!p0 $0x108  }
0x21: {  	s3 =	sadd.s32 s3, s9;
	s6 =	sadd.s32 @!p0 $0x88, s6;
	s7 =	simm.s32 @p2 $0x1082  }
0x22: {  	[simem:s7], [sflag:s8] =	dma.local @!p0 [hbm:s6], $0xF7A  }
0x23: {  	s9 =	sor.u32 $0xD0000000, s2;
	s6 =	simm.s32 $0x108;
	_ =	swait.ge @!p0 [sflag:s8], $0x0  }
0x24: {  	s3 =	sadd.s32 $0x88, s3;
	s6 =	simm.s32 @!p1 $0x1082;
	[sflag:s4] =	ssyncset.s32 $0xFFFFF086  }
0x25: {  	[simem:s6], [sflag:s4] =	dma.local [hbm:s3], $0xF7A  }
0x26: {  	[smem:$0x3F9B] =	sst s1;
	(tag) =	ssettag s2;
	_ =	strace s9  }
0x27: {  	s1 =	sld [smem:$0x3FAB]  }
0x28: {  	s2 =	sld [smem:$0x3FAC]  }
0x29: {  	s4 =	sld [smem:$0x3FAE]  }
0x2a: {  	p0 =	seq.s32 s5, $0x0;
	s5 =	sld [smem:$0x3FAF]  }
0x2b: {  	s6 =	sld [smem:$0x3FB0]  }
0x2c: {  	s7 =	sld [smem:$0x3FB1]  }
0x2d: {  	s3 =	simm.s32 $0x108;
	s8 =	sld [smem:$0x3FB2]  }
0x2e: {  	s3 =	simm.s32 @!p0 $0x1082;
	s9 =	sld [smem:$0x3FB3]  }
0x2f: {  	lr =	sadd.s32 s0, s3;
	s0 =	sld [smem:$0x3FAA]  }
0x30: {  	s3 =	sld [smem:$0x3FAD]  }
0x31: {  	[smem:$0x3FB6] =	sst s10  }
0x32: {  	s10 =	sld [smem:$0x3FB4];
	_ =	sdelay $0x3  }
0x33: {  	p0 =	seq.s32 s10, $0x1;
	s10 =	sld [smem:$0x3FB6];
	_ =	sdelay $0x3  }
0x34: {  	[smem:$0x3FB6] =	sst s10  }
0x35: {  	s10 =	sld [smem:$0x3FB5];
	_ =	sdelay $0x3  }
0x36: {  	p1 =	seq.s32 s10, $0x1;
	s10 =	sld [smem:$0x3FB6];
	_ =	sdelay $0x3  }
0x37: {  	[smem:$0x3FB6] =	sst s10  }
0x38: {  	s10 =	sld [smem:$0x3FB7]  }
0x39: {  	_ = 	snop;
	(pc) =	sbr.ind lr, $3  }
0x3a: {  	_ = 	snop  }
0x3b: {  	_ = 	snop  }
0x3c: {  	p2 =	seq.s32 s10, $0x1;
	s10 =	sld [smem:$0x3FB6]  }
0x3d: {  	_ =	shalt  }
0x3e: {  	_ =	shalt  }
0x3f: {  	_ =	shalt  }
0x40: {  	_ =	shalt  }
0x41: {  	_ =	shalt  }
0x42: {  	_ =	shalt  }
0x43: {  	_ =	shalt  }
0x44: {  	_ =	shalt  }
0x45: {  	_ =	shalt  }
0x46: {  	_ =	shalt  }
0x47: {  	_ =	shalt  }
0x48: {  	_ =	shalt  }
0x49: {  	_ =	shalt  }
0x4a: {  	_ =	shalt  }
0x4b: {  	_ =	shalt  }
0x4c: {  	_ =	shalt  }
0x4d: {  	_ =	shalt  }
0x4e: {  	_ =	shalt  }
0x4f: {  	_ =	shalt  }
0x50: {  	_ =	shalt  }
0x51: {  	_ =	shalt  }
0x52: {  	_ =	shalt  }
0x53: {  	_ =	shalt  }
0x54: {  	_ =	shalt  }
0x55: {  	_ =	shalt  }
0x56: {  	_ =	shalt  }
0x57: {  	_ =	shalt  }
0x58: {  	_ =	shalt  }
0x59: {  	_ =	shalt  }
0x5a: {  	_ =	shalt  }
0x5b: {  	_ =	shalt  }
0x5c: {  	_ =	shalt  }
0x5d: {  	_ =	shalt  }
0x5e: {  	_ =	shalt  }
0x5f: {  	_ =	shalt  }
0x60: {  	_ =	shalt  }
0x61: {  	_ =	shalt  }
0x62: {  	_ =	shalt  }
0x63: {  	_ =	shalt  }
0x64: {  	_ =	shalt  }
0x65: {  	_ =	shalt  }
0x66: {  	_ =	shalt  }
0x67: {  	_ =	shalt  }
0x68: {  	_ =	shalt  }
0x69: {  	_ =	shalt  }
0x6a: {  	_ =	shalt  }
0x6b: {  	_ =	shalt  }
0x6c: {  	_ =	shalt  }
0x6d: {  	_ =	shalt  }
0x6e: {  	_ =	shalt  }
0x6f: {  	_ =	shalt  }
0x70: {  	_ =	shalt  }
0x71: {  	_ =	shalt  }
0x72: {  	_ =	shalt  }
0x73: {  	_ =	shalt  }
0x74: {  	_ =	shalt  }
0x75: {  	_ =	shalt  }
0x76: {  	_ =	shalt  }
0x77: {  	_ =	shalt  }
0x78: {  	_ =	shalt  }
0x79: {  	_ =	shalt  }
0x7a: {  	_ =	shalt  }
0x7b: {  	_ =	shalt  }
0x7c: {  	_ =	shalt  }
0x7d: {  	_ =	shalt  }
0x7e: {  	_ =	shalt  }
0x7f: {  	_ =	shalt  }
0x80: {  	_ =	shalt  }
0x81: {  	_ =	shalt  }
0x82: {  	_ =	shalt  }
0x83: {  	_ =	shalt  }
0x84: {  	_ =	shalt  }
0x85: {  	_ =	shalt  }
0x86: {  	_ =	shalt  }
0x87: {  	_ =	shalt  }
.Lfunc_end0:
.L_simem_size_0:
called_computation_lowered:
.L_overlay_start_0:
0x88: {  	s2 =	sld [smem:$0x3FD9]  }
0x89: {  	s3 =	sld [smem:$0x3FFE];
	_ =	sdelay $0x1  }
0x8a: {  	s1 =	srdreg.scid  }
0x8b: {  	s0 =	sand.u32 $0x1, s1  }
0x8c: {  	s17 =	sshll.u32 s0, $0xA;
	s2 =	sadd.s32 s3, s2  }
0x8d: {  	s2 =	sadd.s32 s2, s17  }
0x8e: {  	[smem:$0x3FC2] =	sst s2  }
0x8f: {  	_ = 	snop  }
0x90: {  	s2 =	sld [smem:$0x3FD0];
	(tm) =	ssettm $0x1  }
0x91: {  	s18 =	sld [smem:$0x3FFB];
	_ =	sdelay $0x3  }
0x92: {  	_ =	strace s18  }
0x93: {  	s3 =	sld [smem:$0x3FFC];
	_ =	sdelay $0x3  }
0x94: {  	_ =	strace s3  }
0x95: {  	s3 =	sld [smem:$0x3FFD];
	_ =	sdelay $0x3  }
0x96: {  	_ =	strace s3  }
0x97: {  	_ =	strace $0x8FFFFFFF  }
0x98: {  	s19 =	sld [smem:$0x3FDB];
	_ =	sdelay $0x1  }
0x99: {  	s4 =	simm.s32 $_scs_section_size  }
0x9a: {  	s5 =	simm.s32 $_size__tile_overlayer_lowered;
	s6 =	simm.s32 $_tile_overlayer_lowered  }
0x9b: {  	s22 =	simm.s32 $0x1BFF;
	s21 =	sshll.u32 s6, $0x1;
	s3 =	sadd.s32 s4, s19  }
0x9c: {  	s7 =	simm.s32 $0x0;
	s20 =	sshll.u32 s5, $0x1;
	s5 =	sadd.s32 s21, s3  }
0x9d: {  	[timem:s7], [sflag:s22] =	dma.local [hbm:s5], s20  }
0x9e: {  	_ =	swait.ge [sflag:s22], s20  }
0x9f: {  	s4 =	ssub.s32 $0x0, s20;
	[sflag:s22] =	ssyncset.done $0x0  }
0xa0: {  	[sflag:s22] =	ssyncadd.s32 s4;
	_ =	sdelay $0x1  }
0xa1: {  	s23 =	simm.s32 $0x1B8B  }
0xa2: {  	_ =	swait.ge [sflag:s23], $0x1  }
0xa3: {  	[sflag:s23] =	ssyncset.done $0x0  }
0xa4: {  	s25 =	simm.s32 $0x1B8E;
	s24 =	sld [smem:$0x3FFE];
	[sflag:s23] =	ssyncadd.s32 $0xFFFFFFFF  }
0xa5: {  	s26 =	simm.s32 $execute0_lowered;
	[smem:$0x3FD2] =	sst s25  }
0xa6: {  	s5 =	sshll.u32 s26, $0x1;
	_ =	strace $0x80000046;
	[dreg:$0x1] =	wrdreg $0xFFFFFFFF  }
0xa7: {  	s28 =	simm.s32 $_size_execute0_lowered;
	s3 =	sadd.s32 s3, s5;
	[dreg:$0x0] =	wrdreg $0x0  }
0xa8: {  	s5 =	sshll.u32 s28, $0x1;
	[dreg:$0x2] =	wrdreg s3  }
0xa9: {  	[dreg:$0x3] =	wrdreg s5  }
0xaa: {  	[dreg:$0x4] =	wrdreg $0xC0  }
0xab: {  	_ =	task [dreg:s7], $0x5FFFF  }
0xac: {  	[dreg:$0x1] =	wrdreg $0xFFFFFFFF  }
0xad: {  	[dreg:$0x0] =	wrdreg $0x60  }
0xae: {  	[dreg:$0x2] =	wrdreg s24  }
0xaf: {  	[dreg:$0x3] =	wrdreg s2  }
0xb0: {  	[dreg:$0x4] =	wrdreg $0x40800  }
0xb1: {  	[dreg:$0x5] =	wrdreg $0x9  }
0xb2: {  	_ =	task.clear_ibuf [dreg:s7], $0x6FFFF;
	_ =	strace $0x90000046  }
0xb3: {  	s29 =	simm.s32 $0x9;
	_ =	strace $0x80000048  }
0xb4: {  	_ =	swait.ge [sflag:s29], $0x1  }
0xb5: {  	[sflag:s29] =	ssyncadd.s32 $0xFFFFFFFF  }
0xb6: {  	_ =	strace $0x90000048  }
0xb7: {  	_ =	sfence  }
0xb8: {  	s30 =	sld [smem:$0x0];
	_ =	sdelay $0x2  }
0xb9: {  	s31 =	sshll.u32 s1, $0xD;
	s1 =	sshrl.u32 s1, $0x2  }
0xba: {  	s3 =	sand.u32 $0x4000, s31;
	s1 =	sadd.s32 s1, s30  }
0xbb: {  	s0 =	sor.u32 s3, s0;
	s1 =	sshll.u32 s1, $0x11  }
0xbc: {  	s0 =	sor.u32 s1, s0  }
0xbd: {  	s0 =	sadd.s32 $0x8F2B, s0  }
0xbe: {  	[sflag:s0] =	ssyncadd.remote.s32 $0x1  }
0xbf: {  	_ =	sfence.sel $0xFFFF  }
0xc0: {  	[dreg:$0x0] =	wrdreg $0xFFFFFFFF;
	(pc) =	sbr.abs _section_cstart, $3  }
0xc1: {  	[dreg:$0x1] =	wrdreg $0xFFFFFFFF  }
0xc2: {  	_ =	task.clear_ibuf [dreg:s7], $0x2FFFF;
	_ =	strace $0x9FFFFFFF  }
0xc3: {  	(tm) =	ssettm $0x7FFFFFFF  }
tec
execute0_lowered:
.L_overlay_start_1:
0x0: {  	(tag) =	ssettag $0x1  }
0x1: {  	s5 =	rddreg [dreg:$0x0]  }
0x2: {  	s0 =	srdreg.scid;
	s6 =	rddreg [dreg:$0x1]  }
0x3: {  	s2 =	rddreg [dreg:$0x2];
	s7 =	sand.u32 $0x1, s0  }
0x4: {  	s0 =	stileid.u32;
	s4 =	smul.u32 $0x50000, s7  }
0x5: {  	s1 =	rddreg [dreg:$0x3];
	s3 =	simm.s32 $0x0;
	s8 =	smul.u32 $0x5000, s0  }
0x6: {  	[smem:$0x7FF] =	sst s3;
	s29 =	smul.u32 $0x2780, s0  }
0x7: {  	s13 =	simm.s32 $0x0;
	s9 =	smul.u32 $0x27800, s7;
	_ =	strace $0x80000047  }
0x8: {  	s11 =	smul.u32 $0x4F000, s0;
	s7 =	ssub.s32 $0x2, s7;
	s31 =	sshll.u32 s0, $0x6  }
0x9: {  	s30 =	sshrl.u32 s7, $0x1;
	s4 =	sadd.s32 s8, s4;
	s9 =	sadd.s32 s29, s9  }
0xa: {  	s11 =	sshrl.u32 s11, $0x2;
	s12 =	ssub.s32 s7, s30;
	s4 =	sshrl.u32 s4, $0x3  }
0xb: {  	s9 =	sadd.s32 s9, s5;
	s11 =	sadd.s32 s11, s2;
	s8 =	smax.u32 s12, $0x1  }
0xc: {  	s12 =	simm.s32 $0x80;
	s10 =	sadd.s32 s4, s5;
	s4 =	sadd.s32 $0x2A400, s5  }
0xd: {  	s5 =	sadd.s32 s6, s29;
	s6 =	sor.u32 $0x1C01, s31;
	s7 =	sadd.s32 $0x2AC00, s9  }
0xe: {  	s9 =	sadd.s32 $0x16400, s10;
	s10 =	sshrl.u32 s11, $0x3;
	s11 =	simm.s32 $0x1  }
.LBB2_1:
0xf: {  	[spmem:s10], [sflag:s6] =	dma.local [hbm:s5], $0x2780  }
0x10: {  	_ =	swait.ge [sflag:s11], $0x2780  }
0x11: {  	[sflag:s11] =	ssyncset.done $0x0  }
0x12: {  	[sflag:s11] =	ssyncadd.s32 $0xFFFFD880  }
0x13: {  	[tilespmem:s12], [sflag:$0x1] =	stream.linear.gather [hbm4b:s4+s3], $0x4000, $0x38;
	[tilespmem:$0x17C80] =	vst v63  }
0x14: {  	_ =	swait.ge [sflag:s11], $0x4000  }
0x15: {  	[sflag:s11] =	ssyncset.done $0x0  }
0x16: {  	[sflag:s11] =	ssyncadd.s32 $0xFFFFC000  }
0x17: {  	s14 =	sadd.s32 $0x0, s9;
	[bflag:$0x0] =	sbarrier.arrive $0xFFFF  }
0x18: {  	[tilespmem:s3], [sflag:$0x1] =	stream.linear.gather [hbm4b:s14+s3], $0x80, $0x38;
	[tilespmem:$0x17C80] =	vst v63  }
0x19: {  	_ =	swait.ge [sflag:s11], $0x80  }
0x1a: {  	[sflag:s11] =	ssyncset.done $0x0  }
0x1b: {  	[sflag:s11] =	ssyncadd.s32 $0xFFFFFF80  }
0x1c: {  	[spmem:s2] =	stream.indirect.scatter.add.f32 [tilespmem:s12], [sflag:$0x1], $0x80, s3, s12, $0xb8;
	[tilespmem:$0x17C80] =	vst v63  }
0x1d: {  	_ =	swait.ge [sflag:s11], $0x4000  }
0x1e: {  	s15 =	simm.s32 $0x20;
	s14 =	simm.s32 $0x10;
	[sflag:s11] =	ssyncset.done $0x0  }
.LBB2_2:
0x1f: {  	s16 =	sadd.s32 s14, s9  }
0x20: {  	[sflag:s11] =	ssyncadd.s32 $0xFFFFC000;
	s14 =	smov.u32 s15;
	s17 =	sadd.s32 $0x10, s15  }
0x21: {  	[tilespmem:s3], [sflag:$0x1] =	stream.linear.gather [hbm4b:s16+s3], $0x80, $0x38;
	[tilespmem:$0x17C80] =	vst v63  }
0x22: {  	p0 =	sne.s32 s15, $0x9F0;
	_ =	swait.ge [sflag:s11], $0x80  }
.Ltmp0:
0x23: {  	[sflag:s11] =	ssyncset.done $0x0;
	(pc) =	sbr.rel @p0 .LBB2_2-.Ltmp0, $4  }
0x24: {  	[sflag:s11] =	ssyncadd.s32 $0xFFFFFF80  }
0x25: {  	[spmem:s2] =	stream.indirect.scatter.add.f32 [tilespmem:s12], [sflag:$0x1], $0x80, s3, s12, $0xb8;
	[tilespmem:$0x17C80] =	vst v63  }
0x26: {  	_ =	swait.ge [sflag:s11], $0x4000  }
0x27: {  	s15 =	smov.u32 s17;
	[sflag:s11] =	ssyncset.done $0x0  }
0x28: {  	s14 =	sadd.s32 s14, s9;
	[sflag:s11] =	ssyncadd.s32 $0xFFFFC000  }
0x29: {  	[tilespmem:s3], [sflag:$0x1] =	stream.linear.gather [hbm4b:s14+s3], $0x80, $0x38;
	[tilespmem:$0x17C80] =	vst v63  }
0x2a: {  	_ =	swait.ge [sflag:s11], $0x80  }
0x2b: {  	[sflag:s11] =	ssyncset.done $0x0  }
0x2c: {  	[sflag:s11] =	ssyncadd.s32 $0xFFFFFF80  }
0x2d: {  	[spmem:s2] =	stream.indirect.scatter.add.f32 [tilespmem:s12], [sflag:$0x1], $0x80, s3, s12, $0xb8;
	[tilespmem:$0x17C80] =	vst v63  }
0x2e: {  	_ =	swait.ge [sflag:s11], $0x4000  }
0x2f: {  	s13 =	sadd.s32 $0x1, s13;
	[sflag:s11] =	ssyncset.done $0x0  }
0x30: {  	p0 =	sne.s32 s13, s8;
	[sflag:s11] =	ssyncadd.s32 $0xFFFFC000  }
.Ltmp1:
0x31: {  	[bflag:$0x0] =	sbarrier.arrive $0xFFFF;
	(pc) =	sbr.rel @p0 .LBB2_1-.Ltmp1, $4  }
0x32: {  	[hbm:s7], [sflag:s6] =	dma.local [spmem:s10], $0x2780  }
0x33: {  	_ =	swait.ge [sflag:s11], $0x2780  }
0x34: {  	[sflag:s11] =	ssyncset.done $0x0  }
0x35: {  	[sflag:s11] =	ssyncadd.s32 $0xFFFFD880  }
0x36: {  	_ =	sfence.sel $0x180000  }
0x37: {  	[bflag:$0x0] =	sbarrier.arrive $0xFFFF  }
0x38: {  	p0 =	sne.s32 s0, $0x0;
	_ =	strace $0x90000047  }
0x39: {  	s0 =	sadd.s32 @!p0 $0x100000, s1;
	[bflag:$0x2] =	sbarrier.arrive $0xFFFF  }
0x3a: {  	[sflag:s0] =	ssyncadd.tile.s32 @!p0 $0x1;
	_ =	shalt  }
.Lfunc_end2:
_tile_overlayer_lowered:
.L_overlay_start_2:
0x3b: {  	(tag) =	ssettag $0x2  }
0x3c: {  	s0 =	rddreg [dreg:$0x0];
	s2 =	stileid.u32  }
0x3d: {  	s1 =	rddreg [dreg:$0x1];
	p0 =	sne.s32 s2, $0x0  }
0x3e: {  	s3 =	rddreg [dreg:$0x2];
	[bflag:$0x3] =	sbarrier.arrive $0xFFFF;
	s2 =	simm.s32 @!p0 $0x1C01  }
0x3f: {  	[timem:s3], [sflag:s2] =	dma.local @!p0 [hbm:s0], s1  }
0x40: {  	s0 =	simm.s32 @!p0 $0x1  }
0x41: {  	_ =	swait.ge @!p0 [sflag:s0], s1  }
0x42: {  	s1 =	ssub.s32 @!p0 $0x0, s1;
	[sflag:s0] =	ssyncset.done @!p0 $0x0  }
0x43: {  	[sflag:s0] =	ssyncadd.s32 @!p0 s1  }
0x44: {  	[bflag:$0x3] =	sbarrier.arrive $0xFFFF  }
0x45: {  	_ =	shalt  }

</sc_bundles>
